<compile_context>
chip_gen: v7x
topology: tpu7x:2x2x1
jax: 0.10.2.dev20260603
libtpu: 0.0.44.dev20260713+nightly
codegen_flags: <defaults>
</compile_context>

<pallas_src>
import functools

import jax
import jax.numpy as jnp
from jax import lax
from jax.experimental import pallas as pl
from jax.experimental.pallas import tpu as pltpu
from jax.experimental.pallas import tpu_sc as plsc

N = 10000
E = 320000
D = 128
R = 16
LORA_SCALE = 32.0 / 16.0

NC = 2
NS = 16
NW = NC * NS
BS = 128
NB = 80
EPW = NB * BS
EPAD = NW * EPW
NPAD = 10240
RPS = NPAD // NS

_MESH = plsc.VectorSubcoreMesh(
    core_axis_name="c", subcore_axis_name="s", num_cores=NC, num_subcores=NS
)


@functools.partial(
    pl.kernel,
    out_type=jax.ShapeDtypeStruct((NC, NPAD), jnp.float32),
    mesh=_MESH,
    scratch_types=[
        pltpu.VMEM((NB, BS), jnp.int32),
        pltpu.VMEM((BS,), jnp.float32),
        pltpu.VMEM_SHARED((NPAD,), jnp.float32),
        pltpu.SemaphoreType.DMA,
    ],
)
def _deg_kernel(cols_hbm, zeros_hbm, ones_hbm, out_hbm, cidx_v, ones_v, deg_sh, dsem):
    c = lax.axis_index("c")
    s = lax.axis_index("s")
    pltpu.sync_copy(zeros_hbm, deg_sh.at[pl.ds(s * RPS, RPS)])
    pltpu.sync_copy(ones_hbm, ones_v)
    pltpu.sync_copy(cols_hbm.at[c, s], cidx_v)
    plsc.subcore_barrier()

    def body(j, carry):
        pltpu.async_copy(ones_v, deg_sh.at[cidx_v.at[j]], dsem, add=True)
        return carry

    lax.fori_loop(0, NB, body, 0)

    def drain(j, carry):
        pltpu.make_async_copy(ones_v, deg_sh.at[cidx_v.at[0]], dsem).wait()
        return carry

    lax.fori_loop(0, NB, drain, 0)
    plsc.subcore_barrier()
    pltpu.sync_copy(
        deg_sh.at[pl.ds(s * RPS, RPS)], out_hbm.at[c, pl.ds(s * RPS, RPS)]
    )


SBS = 128
SNB = EPW // SBS
NCHUNK = 2
NBH = SNB // NCHUNK


@functools.partial(
    pl.kernel,
    out_type=jax.ShapeDtypeStruct((NC, NPAD, D), jnp.float32),
    mesh=_MESH,
    scratch_types=[
        pltpu.VMEM((NBH, SBS), jnp.int32),
        pltpu.VMEM((NBH, SBS), jnp.int32),
        pltpu.VMEM((2, SBS, D), jnp.float32),
        pltpu.VMEM_SHARED((NPAD, D), jnp.float32),
        pltpu.SemaphoreType.DMA,
        pltpu.SemaphoreType.DMA,
    ],
)
def _scatter_kernel(
    g_hbm, rows_hbm, cols_hbm, zeros_hbm, out_hbm,
    ridx_v, cidx_v, buf_v, acc_sh, sem0, sem1,
):
    c = lax.axis_index("c")
    s = lax.axis_index("s")
    pltpu.sync_copy(zeros_hbm, acc_sh.at[pl.ds(s * RPS, RPS)])
    plsc.subcore_barrier()

    sems = (sem0, sem1)
    for half in range(NCHUNK):
        pltpu.sync_copy(rows_hbm.at[c, s, half], ridx_v)
        pltpu.sync_copy(cols_hbm.at[c, s, half], cidx_v)
        pltpu.async_copy(g_hbm.at[ridx_v.at[0]], buf_v.at[0], sems[0])
        pltpu.async_copy(g_hbm.at[ridx_v.at[1]], buf_v.at[1], sems[1])

        def body(i, carry):
            for b in range(2):
                j = 2 * i + b
                pltpu.make_async_copy(
                    g_hbm.at[ridx_v.at[0]], buf_v.at[b], sems[b]
                ).wait()
                pltpu.sync_copy(buf_v.at[b], acc_sh.at[cidx_v.at[j]], add=True)

                @pl.when(j + 2 < NBH)
                def _prefetch():
                    pltpu.async_copy(
                        g_hbm.at[ridx_v.at[j + 2]], buf_v.at[b], sems[b]
                    )

            return carry

        lax.fori_loop(0, NBH // 2, body, 0)

    plsc.subcore_barrier()
    pltpu.sync_copy(
        acc_sh.at[pl.ds(s * RPS, RPS)], out_hbm.at[c, pl.ds(s * RPS, RPS)]
    )


def _prescale_body(dge_ref, h_ref, g_ref, a_ref):
    deg = dge_ref[0] + dge_ref[1] + 1.0
    dis = lax.rsqrt(deg)
    g_ref[...] = h_ref[...] * dis
    a_ref[...] = dis / deg


_PRE_BLK = 1000


def _prescale(dge, h):
    grid = N // _PRE_BLK
    return pl.pallas_call(
        _prescale_body,
        grid=(grid,),
        in_specs=[
            pl.BlockSpec((NC, _PRE_BLK, 1), lambda i: (0, i, 0)),
            pl.BlockSpec((_PRE_BLK, D), lambda i: (i, 0)),
        ],
        out_specs=[
            pl.BlockSpec((_PRE_BLK, D), lambda i: (i, 0)),
            pl.BlockSpec((_PRE_BLK, 1), lambda i: (i, 0)),
        ],
        out_shape=[
            jax.ShapeDtypeStruct((N, D), jnp.float32),
            jax.ShapeDtypeStruct((N, 1), jnp.float32),
        ],
    )(dge, h)


_DOT = functools.partial(jnp.dot, preferred_element_type=jnp.float32)


def _dense_body(
    h_ref, sp_ref, g_ref, a_ref, wmt, bmr, amt, bmt, wgt, bgr, agt, bgt,
    gam, bet, o_ref,
):
    h = h_ref[...]
    mo = a_ref[...] * (sp_ref[0] + sp_ref[1] + g_ref[...])
    mt = _DOT(mo, wmt[...]) + bmr[...] + LORA_SCALE * _DOT(_DOT(mo, amt[...]), bmt[...])
    gl = _DOT(h, wgt[...]) + bgr[...] + LORA_SCALE * _DOT(_DOT(h, agt[...]), bgt[...])
    y = h + jax.nn.sigmoid(gl) * mt
    mu = jnp.mean(y, axis=-1, keepdims=True)
    yc = y - mu
    var = jnp.mean(yc * yc, axis=-1, keepdims=True)
    o_ref[...] = yc * lax.rsqrt(var + 1e-5) * gam[...] + bet[...]


_DN_BLK = 1000


def _dense(h, sp, g, a_col, wmt, bmr, amt, bmt, wgt, bgr, agt, bgt, gam, bet):
    grid = N // _DN_BLK
    full = lambda i: (0, 0)
    return pl.pallas_call(
        _dense_body,
        grid=(grid,),
        in_specs=[
            pl.BlockSpec((_DN_BLK, D), lambda i: (i, 0)),
            pl.BlockSpec((NC, _DN_BLK, D), lambda i: (0, i, 0)),
            pl.BlockSpec((_DN_BLK, D), lambda i: (i, 0)),
            pl.BlockSpec((_DN_BLK, 1), lambda i: (i, 0)),
            pl.BlockSpec((D, D), full),
            pl.BlockSpec((1, D), full),
            pl.BlockSpec((D, R), full),
            pl.BlockSpec((R, D), full),
            pl.BlockSpec((D, D), full),
            pl.BlockSpec((1, D), full),
            pl.BlockSpec((D, R), full),
            pl.BlockSpec((R, D), full),
            pl.BlockSpec((1, D), full),
            pl.BlockSpec((1, D), full),
        ],
        out_specs=pl.BlockSpec((_DN_BLK, D), lambda i: (i, 0)),
        out_shape=jax.ShapeDtypeStruct((N, D), jnp.float32),
    )(h, sp, g, a_col, wmt, bmr, amt, bmt, wgt, bgr, agt, bgt, gam, bet)


def kernel(hidden_states, edge_index, Wm, bm, Am, Bm, Wg, bg, Ag, Bg, gamma, beta):
    h = hidden_states
    npad = EPAD - E
    pad_rows = (jnp.arange(npad, dtype=jnp.int32) * 37) % N
    pad_cols = N + (jnp.arange(npad, dtype=jnp.int32) % (NPAD - N))
    rows = jnp.concatenate([edge_index[0], pad_rows]).reshape(NC, NS, NB, BS)
    cols = jnp.concatenate([edge_index[1], pad_cols]).reshape(NC, NS, NB, BS)
    rows_s = rows.reshape(NC, NS, NCHUNK, NBH, SBS)
    cols_s = cols.reshape(NC, NS, NCHUNK, NBH, SBS)

    zeros1 = jnp.zeros((RPS,), jnp.float32)
    ones_b = jnp.ones((BS,), jnp.float32)
    degp = _deg_kernel(cols, zeros1, ones_b)

    dge = degp[:, :N, None]
    g, a_col = _prescale(dge, h)

    zeros2 = jnp.zeros((RPS, D), jnp.float32)
    sp = _scatter_kernel(g, rows_s, cols_s, zeros2)
    sp = sp[:, :N]

    out = _dense(
        h, sp, g, a_col,
        Wm.T, bm[None, :], Am.T, Bm.T, Wg.T, bg[None, :], Ag.T, Bg.T,
        gamma[None, :], beta[None, :],
    )
    return out

# --- scband reference (transcript-rebuilt; emitter-appended) ---
"""Pipeline reference for scband-gladder-module-40578851013020 (READ-ONLY COPY).

The authoritative reference and input builder live on the scoring server;
editing this copy changes nothing except your own understanding.
"""

import jax, jax.numpy as jnp
import numpy as np

N = 10000
E = 320000
D = 128
R = 16
SCALING = 32.0 / 16.0


def setup_inputs(seed: int = 0) -> dict:
    key = jax.random.key(seed)
    ks = jax.random.split(key, 10)
    inp = {}
    inp["hidden_states"] = jax.random.normal(ks[0], (N, D), dtype=jnp.float32)
    inp["edge_index"] = jax.random.randint(ks[1], (2, E), 0, N, dtype=jnp.int32)
    inp["Wm"] = jax.random.normal(ks[2], (D, D), dtype=jnp.float32) * 0.02
    inp["bm"] = jnp.zeros((D,), dtype=jnp.float32)
    inp["Am"] = jax.random.normal(ks[3], (R, D), dtype=jnp.float32) * 0.02
    inp["Bm"] = jax.random.normal(ks[4], (D, R), dtype=jnp.float32) * 0.02
    inp["Wg"] = jax.random.normal(ks[5], (D, D), dtype=jnp.float32) * 0.02
    inp["bg"] = jnp.zeros((D,), dtype=jnp.float32)
    inp["Ag"] = jax.random.normal(ks[6], (R, D), dtype=jnp.float32) * 0.02
    inp["Bg"] = jax.random.normal(ks[7], (D, R), dtype=jnp.float32) * 0.02
    inp["gamma"] = jnp.ones((D,), dtype=jnp.float32)
    inp["beta"] = jnp.zeros((D,), dtype=jnp.float32)
    return inp


def _lora(x, W, b, A, B):
    # frozen base linear + LoRA low-rank path (dropout = identity in eval mode)
    return x @ W.T + b + SCALING * ((x @ A.T) @ B.T)


def _message_passing(h, edge_index):
    # GraphMessagePassing: add_self_loops=True, normalize=True, aggr='mean'
    n = h.shape[0]
    sl = jnp.arange(n, dtype=edge_index.dtype)
    ei = jnp.concatenate([edge_index, jnp.stack([sl, sl])], axis=1)
    row, col = ei[0], ei[1]
    ones = jnp.ones(ei.shape[1], dtype=h.dtype)
    deg = jax.ops.segment_sum(ones, col, num_segments=n)
    deg_inv_sqrt = jnp.where(deg > 0, deg ** -0.5, 0.0)
    norm = deg_inv_sqrt[row] * deg_inv_sqrt[col]
    msg = norm[:, None] * h[row]
    agg_sum = jax.ops.segment_sum(msg, col, num_segments=n)
    cnt = jax.ops.segment_sum(ones, col, num_segments=n)
    return agg_sum / jnp.maximum(cnt, 1.0)[:, None]


def reference(hidden_states, edge_index, Wm, bm, Am, Bm, Wg, bg, Ag, Bg, gamma, beta):
    message_out = _message_passing(hidden_states, edge_index)
    message_transformed = _lora(message_out, Wm, bm, Am, Bm)
    gate_values = jax.nn.sigmoid(_lora(hidden_states, Wg, bg, Ag, Bg))
    gated_messages = gate_values * message_transformed
    y = hidden_states + gated_messages
    mu = jnp.mean(y, axis=-1, keepdims=True)
    var = jnp.mean((y - mu) ** 2, axis=-1, keepdims=True)
    out = (y - mu) / jnp.sqrt(var + 1e-5) * gamma + beta
    return out

if __name__ == "__main__":
    import jax
    _d = setup_inputs()
    print(jax.jit(kernel)(*tuple(_d.values())))

</pallas_src>

<mosaic_0001>
#map = affine_map<(d0, d1) -> (0, 0)>
#map1 = affine_map<(d0, d1) -> (0, 0, 0, 0, 0)>
#map2 = affine_map<(d0, d1) -> (0, 0, 0)>
module attributes {stable_mosaic.version = 14 : i64} {
  func.func @_scatter_kernel(%arg0: i32, %arg1: i32, %arg2: memref<10000x128xf32, #tpu.memory_space<hbm>>, %arg3: memref<2x16x2x40x128xi32, #tpu.memory_space<hbm>>, %arg4: memref<2x16x2x40x128xi32, #tpu.memory_space<hbm>>, %arg5: memref<640x128xf32, #tpu.memory_space<hbm>>, %arg6: memref<2x10240x128xf32, #tpu.memory_space<hbm>>, %arg7: memref<40x128xi32, #tpu.memory_space<vmem>>, %arg8: memref<40x128xi32, #tpu.memory_space<vmem>>, %arg9: memref<2x128x128xf32, #tpu.memory_space<vmem>>, %arg10: memref<10240x128xf32, #tpu.memory_space<vmem_shared>>, %arg11: memref<!tpu.dma_semaphore, #tpu.memory_space<semaphore_mem>>, %arg12: memref<!tpu.dma_semaphore, #tpu.memory_space<semaphore_mem>>) attributes {dimension_semantics = [#tpu.dimension_semantics<core_parallel>, #tpu.dimension_semantics<subcore_parallel>], iteration_bounds = array<i64: 2, 16>, scalar_prefetch = 0 : i64, scratch_operands = 6 : i64, tpu.core_type = #tpu.core_type<sc_vector_subcore>, window_params = [{transform_indices = #map}, {transform_indices = #map1}, {transform_indices = #map1}, {transform_indices = #map}, {transform_indices = #map2}]} {
    %mul3A = arith.constant 640 : i32
    %mul3A_0 = arith.muli %arg1, %mul3A : i32
    "tpu.region"() ({
      %run_scoped3A_67 = tpu.sem_alloc : memref<!tpu.dma_semaphore, #tpu.memory_space<semaphore_mem>>
      %dma_start3A_68 = arith.constant 0 : i32
      %dma_start3A_69 = tpu.memref_slice %arg10[%mul3A_0, %dma_start3A_68] : memref<10240x128xf32, #tpu.memory_space<vmem_shared>> -> memref<640x128xf32, #tpu.memory_space<vmem_shared>>
      tpu.enqueue_dma source(%arg5 : memref<640x128xf32, #tpu.memory_space<hbm>>) target(%dma_start3A_69 : memref<640x128xf32, #tpu.memory_space<vmem_shared>>) target_semaphore(%run_scoped3A_67 : memref<!tpu.dma_semaphore, #tpu.memory_space<semaphore_mem>>)
      %dma_wait3A = arith.constant 0 : i32
      %dma_wait3A_70 = tpu.memref_slice %arg10[%mul3A_0, %dma_wait3A] : memref<10240x128xf32, #tpu.memory_space<vmem_shared>> -> memref<640x128xf32, #tpu.memory_space<vmem_shared>>
      tpu.wait_dma2 semaphore(%run_scoped3A_67 : memref<!tpu.dma_semaphore, #tpu.memory_space<semaphore_mem>>) src(%arg5 : memref<640x128xf32, #tpu.memory_space<hbm>>) dst(%dma_wait3A_70 : memref<640x128xf32, #tpu.memory_space<vmem_shared>>)
      tpu.yield
    }) : () -> ()
    %barrier3A = arith.constant 0 : index
    tpu.barrier barrier_id(%barrier3A)
    %run_scoped3A = arith.constant 0 : i32
    "tpu.region"() ({
      %run_scoped3A_67 = tpu.sem_alloc : memref<!tpu.dma_semaphore, #tpu.memory_space<semaphore_mem>>
      %dma_start3A_68 = arith.constant 0 : i32
      %dma_start3A_69 = arith.constant 0 : i32
      %dma_start3A_70 = tpu.memref_slice %arg3[%arg0, %arg1, %run_scoped3A, %dma_start3A_68, %dma_start3A_69] : memref<2x16x2x40x128xi32, #tpu.memory_space<hbm>> -> memref<1x1x1x40x128xi32, #tpu.memory_space<hbm>>
      %dma_start3A_71 = tpu.memref_squeeze %dma_start3A_70 : memref<1x1x1x40x128xi32, #tpu.memory_space<hbm>> -> memref<40x128xi32, #tpu.memory_space<hbm>>
      %dma_start3A_72 = arith.constant 0 : i32
      %dma_start3A_73 = arith.constant 0 : i32
      %dma_start3A_74 = tpu.memref_slice %arg3[%arg0, %arg1, %run_scoped3A, %dma_start3A_72, %dma_start3A_73] : memref<2x16x2x40x128xi32, #tpu.memory_space<hbm>> -> memref<1x1x1x40x128xi32, #tpu.memory_space<hbm>>
      %dma_start3A_75 = tpu.memref_squeeze %dma_start3A_74 : memref<1x1x1x40x128xi32, #tpu.memory_space<hbm>> -> memref<40x128xi32, #tpu.memory_space<hbm>>
      tpu.enqueue_dma source(%dma_start3A_75 : memref<40x128xi32, #tpu.memory_space<hbm>>) target(%arg7 : memref<40x128xi32, #tpu.memory_space<vmem>>) target_semaphore(%run_scoped3A_67 : memref<!tpu.dma_semaphore, #tpu.memory_space<semaphore_mem>>)
      %dma_wait3A = arith.constant 0 : i32
      %dma_wait3A_76 = arith.constant 0 : i32
      %dma_wait3A_77 = tpu.memref_slice %arg3[%arg0, %arg1, %run_scoped3A, %dma_wait3A, %dma_wait3A_76] : memref<2x16x2x40x128xi32, #tpu.memory_space<hbm>> -> memref<1x1x1x40x128xi32, #tpu.memory_space<hbm>>
      %dma_wait3A_78 = tpu.memref_squeeze %dma_wait3A_77 : memref<1x1x1x40x128xi32, #tpu.memory_space<hbm>> -> memref<40x128xi32, #tpu.memory_space<hbm>>
      %dma_wait3A_79 = arith.constant 0 : i32
      %dma_wait3A_80 = arith.constant 0 : i32
      %dma_wait3A_81 = tpu.memref_slice %arg3[%arg0, %arg1, %run_scoped3A, %dma_wait3A_79, %dma_wait3A_80] : memref<2x16x2x40x128xi32, #tpu.memory_space<hbm>> -> memref<1x1x1x40x128xi32, #tpu.memory_space<hbm>>
      %dma_wait3A_82 = tpu.memref_squeeze %dma_wait3A_81 : memref<1x1x1x40x128xi32, #tpu.memory_space<hbm>> -> memref<40x128xi32, #tpu.memory_space<hbm>>
      tpu.wait_dma2 semaphore(%run_scoped3A_67 : memref<!tpu.dma_semaphore, #tpu.memory_space<semaphore_mem>>) src(%dma_wait3A_82 : memref<40x128xi32, #tpu.memory_space<hbm>>) dst(%arg7 : memref<40x128xi32, #tpu.memory_space<vmem>>)
      tpu.yield
    }) : () -> ()
    %run_scoped3A_1 = arith.constant 0 : i32
    "tpu.region"() ({
      %run_scoped3A_67 = tpu.sem_alloc : memref<!tpu.dma_semaphore, #tpu.memory_space<semaphore_mem>>
      %dma_start3A_68 = arith.constant 0 : i32
      %dma_start3A_69 = arith.constant 0 : i32
      %dma_start3A_70 = tpu.memref_slice %arg4[%arg0, %arg1, %run_scoped3A_1, %dma_start3A_68, %dma_start3A_69] : memref<2x16x2x40x128xi32, #tpu.memory_space<hbm>> -> memref<1x1x1x40x128xi32, #tpu.memory_space<hbm>>
      %dma_start3A_71 = tpu.memref_squeeze %dma_start3A_70 : memref<1x1x1x40x128xi32, #tpu.memory_space<hbm>> -> memref<40x128xi32, #tpu.memory_space<hbm>>
      %dma_start3A_72 = arith.constant 0 : i32
      %dma_start3A_73 = arith.constant 0 : i32
      %dma_start3A_74 = tpu.memref_slice %arg4[%arg0, %arg1, %run_scoped3A_1, %dma_start3A_72, %dma_start3A_73] : memref<2x16x2x40x128xi32, #tpu.memory_space<hbm>> -> memref<1x1x1x40x128xi32, #tpu.memory_space<hbm>>
      %dma_start3A_75 = tpu.memref_squeeze %dma_start3A_74 : memref<1x1x1x40x128xi32, #tpu.memory_space<hbm>> -> memref<40x128xi32, #tpu.memory_space<hbm>>
      tpu.enqueue_dma source(%dma_start3A_75 : memref<40x128xi32, #tpu.memory_space<hbm>>) target(%arg8 : memref<40x128xi32, #tpu.memory_space<vmem>>) target_semaphore(%run_scoped3A_67 : memref<!tpu.dma_semaphore, #tpu.memory_space<semaphore_mem>>)
      %dma_wait3A = arith.constant 0 : i32
      %dma_wait3A_76 = arith.constant 0 : i32
      %dma_wait3A_77 = tpu.memref_slice %arg4[%arg0, %arg1, %run_scoped3A_1, %dma_wait3A, %dma_wait3A_76] : memref<2x16x2x40x128xi32, #tpu.memory_space<hbm>> -> memref<1x1x1x40x128xi32, #tpu.memory_space<hbm>>
      %dma_wait3A_78 = tpu.memref_squeeze %dma_wait3A_77 : memref<1x1x1x40x128xi32, #tpu.memory_space<hbm>> -> memref<40x128xi32, #tpu.memory_space<hbm>>
      %dma_wait3A_79 = arith.constant 0 : i32
      %dma_wait3A_80 = arith.constant 0 : i32
      %dma_wait3A_81 = tpu.memref_slice %arg4[%arg0, %arg1, %run_scoped3A_1, %dma_wait3A_79, %dma_wait3A_80] : memref<2x16x2x40x128xi32, #tpu.memory_space<hbm>> -> memref<1x1x1x40x128xi32, #tpu.memory_space<hbm>>
      %dma_wait3A_82 = tpu.memref_squeeze %dma_wait3A_81 : memref<1x1x1x40x128xi32, #tpu.memory_space<hbm>> -> memref<40x128xi32, #tpu.memory_space<hbm>>
      tpu.wait_dma2 semaphore(%run_scoped3A_67 : memref<!tpu.dma_semaphore, #tpu.memory_space<semaphore_mem>>) src(%dma_wait3A_82 : memref<40x128xi32, #tpu.memory_space<hbm>>) dst(%arg8 : memref<40x128xi32, #tpu.memory_space<vmem>>)
      tpu.yield
    }) : () -> ()
    %dma_start3A = arith.constant 0 : i32
    %dma_start3A_2 = arith.constant 0 : i32
    %dma_start3A_3 = arith.constant 0 : i32
    %dma_start3A_4 = arith.constant 0 : i32
    %dma_start3A_5 = tpu.memref_slice %arg9[%dma_start3A_2, %dma_start3A_3, %dma_start3A_4] : memref<2x128x128xf32, #tpu.memory_space<vmem>> -> memref<1x128x128xf32, #tpu.memory_space<vmem>>
    %dma_start3A_6 = tpu.memref_squeeze %dma_start3A_5 : memref<1x128x128xf32, #tpu.memory_space<vmem>> -> memref<128x128xf32, #tpu.memory_space<vmem>>
    %dma_start3A_7 = arith.constant 0 : i32
    %dma_start3A_8 = tpu.memref_slice %arg7[%dma_start3A, %dma_start3A_7] : memref<40x128xi32, #tpu.memory_space<vmem>> -> memref<1x128xi32, #tpu.memory_space<vmem>>
    %dma_start3A_9 = tpu.memref_squeeze %dma_start3A_8 : memref<1x128xi32, #tpu.memory_space<vmem>> -> memref<128xi32, #tpu.memory_space<vmem>>
    %dma_start3A_10 = arith.constant 0 : i32
    %dma_start3A_11 = arith.constant 0 : i32
    %dma_start3A_12 = tpu.memref_slice %arg2[%dma_start3A_10, %dma_start3A_11] : memref<10000x128xf32, #tpu.memory_space<hbm>> -> memref<10000x128xf32, #tpu.memory_space<hbm>>
    tpu.enqueue_indirect_dma source(%dma_start3A_12 : memref<10000x128xf32, #tpu.memory_space<hbm>>) target(%dma_start3A_6 : memref<128x128xf32, #tpu.memory_space<vmem>>) offsets(%dma_start3A_9 : memref<128xi32, #tpu.memory_space<vmem>>) semaphore(%arg11 : memref<!tpu.dma_semaphore, #tpu.memory_space<semaphore_mem>>)
    %dma_start3A_13 = arith.constant 1 : i32
    %dma_start3A_14 = arith.constant 1 : i32
    %dma_start3A_15 = arith.constant 0 : i32
    %dma_start3A_16 = arith.constant 0 : i32
    %dma_start3A_17 = tpu.memref_slice %arg9[%dma_start3A_14, %dma_start3A_15, %dma_start3A_16] : memref<2x128x128xf32, #tpu.memory_space<vmem>> -> memref<1x128x128xf32, #tpu.memory_space<vmem>>
    %dma_start3A_18 = tpu.memref_squeeze %dma_start3A_17 : memref<1x128x128xf32, #tpu.memory_space<vmem>> -> memref<128x128xf32, #tpu.memory_space<vmem>>
    %dma_start3A_19 = arith.constant 0 : i32
    %dma_start3A_20 = tpu.memref_slice %arg7[%dma_start3A_13, %dma_start3A_19] : memref<40x128xi32, #tpu.memory_space<vmem>> -> memref<1x128xi32, #tpu.memory_space<vmem>>
    %dma_start3A_21 = tpu.memref_squeeze %dma_start3A_20 : memref<1x128xi32, #tpu.memory_space<vmem>> -> memref<128xi32, #tpu.memory_space<vmem>>
    %dma_start3A_22 = arith.constant 0 : i32
    %dma_start3A_23 = arith.constant 0 : i32
    %dma_start3A_24 = tpu.memref_slice %arg2[%dma_start3A_22, %dma_start3A_23] : memref<10000x128xf32, #tpu.memory_space<hbm>> -> memref<10000x128xf32, #tpu.memory_space<hbm>>
    tpu.enqueue_indirect_dma source(%dma_start3A_24 : memref<10000x128xf32, #tpu.memory_space<hbm>>) target(%dma_start3A_18 : memref<128x128xf32, #tpu.memory_space<vmem>>) offsets(%dma_start3A_21 : memref<128xi32, #tpu.memory_space<vmem>>) semaphore(%arg12 : memref<!tpu.dma_semaphore, #tpu.memory_space<semaphore_mem>>)
    %scan3A = arith.constant 0 : i32
    %scan3A_25 = arith.constant 0 : i32
    %scan3A_26 = arith.constant 20 : i32
    %scan3A_27 = arith.addi %scan3A_25, %scan3A_26 : i32
    %scan3A_28 = arith.constant 1 : i32
    scf.for %scan3A_67 = %scan3A_25 to %scan3A_27 step %scan3A_28  : i32 {
      %mul3A_68 = arith.constant 2 : i32
      %mul3A_69 = arith.muli %mul3A_68, %scan3A_67 : i32
      %add3A = arith.constant 0 : i32
      %add3A_70 = arith.addi %mul3A_69, %add3A : i32
      %dma_wait3A = arith.constant 0 : i32
      %dma_wait3A_71 = arith.constant 0 : i32
      %dma_wait3A_72 = arith.constant 0 : i32
      %dma_wait3A_73 = arith.constant 0 : i32
      %dma_wait3A_74 = tpu.memref_slice %arg9[%dma_wait3A_71, %dma_wait3A_72, %dma_wait3A_73] : memref<2x128x128xf32, #tpu.memory_space<vmem>> -> memref<1x128x128xf32, #tpu.memory_space<vmem>>
      %dma_wait3A_75 = tpu.memref_squeeze %dma_wait3A_74 : memref<1x128x128xf32, #tpu.memory_space<vmem>> -> memref<128x128xf32, #tpu.memory_space<vmem>>
      %dma_wait3A_76 = arith.constant 0 : i32
      %dma_wait3A_77 = tpu.memref_slice %arg7[%dma_wait3A, %dma_wait3A_76] : memref<40x128xi32, #tpu.memory_space<vmem>> -> memref<1x128xi32, #tpu.memory_space<vmem>>
      %dma_wait3A_78 = tpu.memref_squeeze %dma_wait3A_77 : memref<1x128xi32, #tpu.memory_space<vmem>> -> memref<128xi32, #tpu.memory_space<vmem>>
      %dma_wait3A_79 = arith.constant 0 : i32
      %dma_wait3A_80 = arith.constant 0 : i32
      %dma_wait3A_81 = tpu.memref_slice %arg2[%dma_wait3A_79, %dma_wait3A_80] : memref<10000x128xf32, #tpu.memory_space<hbm>> -> memref<10000x128xf32, #tpu.memory_space<hbm>>
      tpu.wait_indirect_dma semaphore(%arg11 : memref<!tpu.dma_semaphore, #tpu.memory_space<semaphore_mem>>) src(%dma_wait3A_81 : memref<10000x128xf32, #tpu.memory_space<hbm>>) dst(%dma_wait3A_75 : memref<128x128xf32, #tpu.memory_space<vmem>>)
      %run_scoped3A_82 = arith.constant 0 : i32
      "tpu.region"() ({
        %run_scoped3A_111 = tpu.sem_alloc : memref<!tpu.dma_semaphore, #tpu.memory_space<semaphore_mem>>
        %dma_start3A_112 = arith.constant 0 : i32
        %dma_start3A_113 = arith.constant 0 : i32
        %dma_start3A_114 = tpu.memref_slice %arg9[%run_scoped3A_82, %dma_start3A_112, %dma_start3A_113] : memref<2x128x128xf32, #tpu.memory_space<vmem>> -> memref<1x128x128xf32, #tpu.memory_space<vmem>>
        %dma_start3A_115 = tpu.memref_squeeze %dma_start3A_114 : memref<1x128x128xf32, #tpu.memory_space<vmem>> -> memref<128x128xf32, #tpu.memory_space<vmem>>
        %dma_start3A_116 = arith.constant 0 : i32
        %dma_start3A_117 = tpu.memref_slice %arg8[%add3A_70, %dma_start3A_116] : memref<40x128xi32, #tpu.memory_space<vmem>> -> memref<1x128xi32, #tpu.memory_space<vmem>>
        %dma_start3A_118 = tpu.memref_squeeze %dma_start3A_117 : memref<1x128xi32, #tpu.memory_space<vmem>> -> memref<128xi32, #tpu.memory_space<vmem>>
        %dma_start3A_119 = arith.constant 0 : i32
        %dma_start3A_120 = arith.constant 0 : i32
        %dma_start3A_121 = tpu.memref_slice %arg10[%dma_start3A_119, %dma_start3A_120] : memref<10240x128xf32, #tpu.memory_space<vmem_shared>> -> memref<10240x128xf32, #tpu.memory_space<vmem_shared>>
        tpu.enqueue_indirect_dma source(%dma_start3A_115 : memref<128x128xf32, #tpu.memory_space<vmem>>) target(%dma_start3A_121 : memref<10240x128xf32, #tpu.memory_space<vmem_shared>>) offsets(%dma_start3A_118 : memref<128xi32, #tpu.memory_space<vmem>>) semaphore(%run_scoped3A_111 : memref<!tpu.dma_semaphore, #tpu.memory_space<semaphore_mem>>) {add = true}
        %dma_wait3A_122 = arith.constant 0 : i32
        %dma_wait3A_123 = arith.constant 0 : i32
        %dma_wait3A_124 = tpu.memref_slice %arg9[%run_scoped3A_82, %dma_wait3A_122, %dma_wait3A_123] : memref<2x128x128xf32, #tpu.memory_space<vmem>> -> memref<1x128x128xf32, #tpu.memory_space<vmem>>
        %dma_wait3A_125 = tpu.memref_squeeze %dma_wait3A_124 : memref<1x128x128xf32, #tpu.memory_space<vmem>> -> memref<128x128xf32, #tpu.memory_space<vmem>>
        %dma_wait3A_126 = arith.constant 0 : i32
        %dma_wait3A_127 = tpu.memref_slice %arg8[%add3A_70, %dma_wait3A_126] : memref<40x128xi32, #tpu.memory_space<vmem>> -> memref<1x128xi32, #tpu.memory_space<vmem>>
        %dma_wait3A_128 = tpu.memref_squeeze %dma_wait3A_127 : memref<1x128xi32, #tpu.memory_space<vmem>> -> memref<128xi32, #tpu.memory_space<vmem>>
        %dma_wait3A_129 = arith.constant 0 : i32
        %dma_wait3A_130 = arith.constant 0 : i32
        %dma_wait3A_131 = tpu.memref_slice %arg10[%dma_wait3A_129, %dma_wait3A_130] : memref<10240x128xf32, #tpu.memory_space<vmem_shared>> -> memref<10240x128xf32, #tpu.memory_space<vmem_shared>>
        tpu.wait_indirect_dma semaphore(%run_scoped3A_111 : memref<!tpu.dma_semaphore, #tpu.memory_space<semaphore_mem>>) src(%dma_wait3A_125 : memref<128x128xf32, #tpu.memory_space<vmem>>) dst(%dma_wait3A_131 : memref<10240x128xf32, #tpu.memory_space<vmem_shared>>)
        tpu.yield
      }) : () -> ()
      %add3A_83 = arith.constant 2 : i32
      %add3A_84 = arith.addi %add3A_70, %add3A_83 : i32
      %lt3A = arith.constant 40 : i32
      %lt3A_85 = arith.cmpi slt, %add3A_84, %lt3A : i32
      %convert_element_type3A = arith.extui %lt3A_85 : i1 to i32
      %cond3A = arith.constant 0 : i32
      %cond3A_86 = arith.cmpi ne, %convert_element_type3A, %cond3A : i32
      scf.if %cond3A_86 {
        %add3A_111 = arith.constant 2 : i32
        %add3A_112 = arith.addi %add3A_70, %add3A_111 : i32
        %dma_start3A_113 = arith.constant 0 : i32
        %dma_start3A_114 = arith.constant 0 : i32
        %dma_start3A_115 = arith.constant 0 : i32
        %dma_start3A_116 = tpu.memref_slice %arg9[%dma_start3A_113, %dma_start3A_114, %dma_start3A_115] : memref<2x128x128xf32, #tpu.memory_space<vmem>> -> memref<1x128x128xf32, #tpu.memory_space<vmem>>
        %dma_start3A_117 = tpu.memref_squeeze %dma_start3A_116 : memref<1x128x128xf32, #tpu.memory_space<vmem>> -> memref<128x128xf32, #tpu.memory_space<vmem>>
        %dma_start3A_118 = arith.constant 0 : i32
        %dma_start3A_119 = tpu.memref_slice %arg7[%add3A_112, %dma_start3A_118] : memref<40x128xi32, #tpu.memory_space<vmem>> -> memref<1x128xi32, #tpu.memory_space<vmem>>
        %dma_start3A_120 = tpu.memref_squeeze %dma_start3A_119 : memref<1x128xi32, #tpu.memory_space<vmem>> -> memref<128xi32, #tpu.memory_space<vmem>>
        %dma_start3A_121 = arith.constant 0 : i32
        %dma_start3A_122 = arith.constant 0 : i32
        %dma_start3A_123 = tpu.memref_slice %arg2[%dma_start3A_121, %dma_start3A_122] : memref<10000x128xf32, #tpu.memory_space<hbm>> -> memref<10000x128xf32, #tpu.memory_space<hbm>>
        tpu.enqueue_indirect_dma source(%dma_start3A_123 : memref<10000x128xf32, #tpu.memory_space<hbm>>) target(%dma_start3A_117 : memref<128x128xf32, #tpu.memory_space<vmem>>) offsets(%dma_start3A_120 : memref<128xi32, #tpu.memory_space<vmem>>) semaphore(%arg11 : memref<!tpu.dma_semaphore, #tpu.memory_space<semaphore_mem>>)
      } else {
      }
      %mul3A_87 = arith.constant 2 : i32
      %mul3A_88 = arith.muli %mul3A_87, %scan3A_67 : i32
      %add3A_89 = arith.constant 1 : i32
      %add3A_90 = arith.addi %mul3A_88, %add3A_89 : i32
      %dma_wait3A_91 = arith.constant 0 : i32
      %dma_wait3A_92 = arith.constant 1 : i32
      %dma_wait3A_93 = arith.constant 0 : i32
      %dma_wait3A_94 = arith.constant 0 : i32
      %dma_wait3A_95 = tpu.memref_slice %arg9[%dma_wait3A_92, %dma_wait3A_93, %dma_wait3A_94] : memref<2x128x128xf32, #tpu.memory_space<vmem>> -> memref<1x128x128xf32, #tpu.memory_space<vmem>>
      %dma_wait3A_96 = tpu.memref_squeeze %dma_wait3A_95 : memref<1x128x128xf32, #tpu.memory_space<vmem>> -> memref<128x128xf32, #tpu.memory_space<vmem>>
      %dma_wait3A_97 = arith.constant 0 : i32
      %dma_wait3A_98 = tpu.memref_slice %arg7[%dma_wait3A_91, %dma_wait3A_97] : memref<40x128xi32, #tpu.memory_space<vmem>> -> memref<1x128xi32, #tpu.memory_space<vmem>>
      %dma_wait3A_99 = tpu.memref_squeeze %dma_wait3A_98 : memref<1x128xi32, #tpu.memory_space<vmem>> -> memref<128xi32, #tpu.memory_space<vmem>>
      %dma_wait3A_100 = arith.constant 0 : i32
      %dma_wait3A_101 = arith.constant 0 : i32
      %dma_wait3A_102 = tpu.memref_slice %arg2[%dma_wait3A_100, %dma_wait3A_101] : memref<10000x128xf32, #tpu.memory_space<hbm>> -> memref<10000x128xf32, #tpu.memory_space<hbm>>
      tpu.wait_indirect_dma semaphore(%arg12 : memref<!tpu.dma_semaphore, #tpu.memory_space<semaphore_mem>>) src(%dma_wait3A_102 : memref<10000x128xf32, #tpu.memory_space<hbm>>) dst(%dma_wait3A_96 : memref<128x128xf32, #tpu.memory_space<vmem>>)
      %run_scoped3A_103 = arith.constant 1 : i32
      "tpu.region"() ({
        %run_scoped3A_111 = tpu.sem_alloc : memref<!tpu.dma_semaphore, #tpu.memory_space<semaphore_mem>>
        %dma_start3A_112 = arith.constant 0 : i32
        %dma_start3A_113 = arith.constant 0 : i32
        %dma_start3A_114 = tpu.memref_slice %arg9[%run_scoped3A_103, %dma_start3A_112, %dma_start3A_113] : memref<2x128x128xf32, #tpu.memory_space<vmem>> -> memref<1x128x128xf32, #tpu.memory_space<vmem>>
        %dma_start3A_115 = tpu.memref_squeeze %dma_start3A_114 : memref<1x128x128xf32, #tpu.memory_space<vmem>> -> memref<128x128xf32, #tpu.memory_space<vmem>>
        %dma_start3A_116 = arith.constant 0 : i32
        %dma_start3A_117 = tpu.memref_slice %arg8[%add3A_90, %dma_start3A_116] : memref<40x128xi32, #tpu.memory_space<vmem>> -> memref<1x128xi32, #tpu.memory_space<vmem>>
        %dma_start3A_118 = tpu.memref_squeeze %dma_start3A_117 : memref<1x128xi32, #tpu.memory_space<vmem>> -> memref<128xi32, #tpu.memory_space<vmem>>
        %dma_start3A_119 = arith.constant 0 : i32
        %dma_start3A_120 = arith.constant 0 : i32
        %dma_start3A_121 = tpu.memref_slice %arg10[%dma_start3A_119, %dma_start3A_120] : memref<10240x128xf32, #tpu.memory_space<vmem_shared>> -> memref<10240x128xf32, #tpu.memory_space<vmem_shared>>
        tpu.enqueue_indirect_dma source(%dma_start3A_115 : memref<128x128xf32, #tpu.memory_space<vmem>>) target(%dma_start3A_121 : memref<10240x128xf32, #tpu.memory_space<vmem_shared>>) offsets(%dma_start3A_118 : memref<128xi32, #tpu.memory_space<vmem>>) semaphore(%run_scoped3A_111 : memref<!tpu.dma_semaphore, #tpu.memory_space<semaphore_mem>>) {add = true}
        %dma_wait3A_122 = arith.constant 0 : i32
        %dma_wait3A_123 = arith.constant 0 : i32
        %dma_wait3A_124 = tpu.memref_slice %arg9[%run_scoped3A_103, %dma_wait3A_122, %dma_wait3A_123] : memref<2x128x128xf32, #tpu.memory_space<vmem>> -> memref<1x128x128xf32, #tpu.memory_space<vmem>>
        %dma_wait3A_125 = tpu.memref_squeeze %dma_wait3A_124 : memref<1x128x128xf32, #tpu.memory_space<vmem>> -> memref<128x128xf32, #tpu.memory_space<vmem>>
        %dma_wait3A_126 = arith.constant 0 : i32
        %dma_wait3A_127 = tpu.memref_slice %arg8[%add3A_90, %dma_wait3A_126] : memref<40x128xi32, #tpu.memory_space<vmem>> -> memref<1x128xi32, #tpu.memory_space<vmem>>
        %dma_wait3A_128 = tpu.memref_squeeze %dma_wait3A_127 : memref<1x128xi32, #tpu.memory_space<vmem>> -> memref<128xi32, #tpu.memory_space<vmem>>
        %dma_wait3A_129 = arith.constant 0 : i32
        %dma_wait3A_130 = arith.constant 0 : i32
        %dma_wait3A_131 = tpu.memref_slice %arg10[%dma_wait3A_129, %dma_wait3A_130] : memref<10240x128xf32, #tpu.memory_space<vmem_shared>> -> memref<10240x128xf32, #tpu.memory_space<vmem_shared>>
        tpu.wait_indirect_dma semaphore(%run_scoped3A_111 : memref<!tpu.dma_semaphore, #tpu.memory_space<semaphore_mem>>) src(%dma_wait3A_125 : memref<128x128xf32, #tpu.memory_space<vmem>>) dst(%dma_wait3A_131 : memref<10240x128xf32, #tpu.memory_space<vmem_shared>>)
        tpu.yield
      }) : () -> ()
      %add3A_104 = arith.constant 2 : i32
      %add3A_105 = arith.addi %add3A_90, %add3A_104 : i32
      %lt3A_106 = arith.constant 40 : i32
      %lt3A_107 = arith.cmpi slt, %add3A_105, %lt3A_106 : i32
      %convert_element_type3A_108 = arith.extui %lt3A_107 : i1 to i32
      %cond3A_109 = arith.constant 0 : i32
      %cond3A_110 = arith.cmpi ne, %convert_element_type3A_108, %cond3A_109 : i32
      scf.if %cond3A_110 {
        %add3A_111 = arith.constant 2 : i32
        %add3A_112 = arith.addi %add3A_90, %add3A_111 : i32
        %dma_start3A_113 = arith.constant 1 : i32
        %dma_start3A_114 = arith.constant 0 : i32
        %dma_start3A_115 = arith.constant 0 : i32
        %dma_start3A_116 = tpu.memref_slice %arg9[%dma_start3A_113, %dma_start3A_114, %dma_start3A_115] : memref<2x128x128xf32, #tpu.memory_space<vmem>> -> memref<1x128x128xf32, #tpu.memory_space<vmem>>
        %dma_start3A_117 = tpu.memref_squeeze %dma_start3A_116 : memref<1x128x128xf32, #tpu.memory_space<vmem>> -> memref<128x128xf32, #tpu.memory_space<vmem>>
        %dma_start3A_118 = arith.constant 0 : i32
        %dma_start3A_119 = tpu.memref_slice %arg7[%add3A_112, %dma_start3A_118] : memref<40x128xi32, #tpu.memory_space<vmem>> -> memref<1x128xi32, #tpu.memory_space<vmem>>
        %dma_start3A_120 = tpu.memref_squeeze %dma_start3A_119 : memref<1x128xi32, #tpu.memory_space<vmem>> -> memref<128xi32, #tpu.memory_space<vmem>>
        %dma_start3A_121 = arith.constant 0 : i32
        %dma_start3A_122 = arith.constant 0 : i32
        %dma_start3A_123 = tpu.memref_slice %arg2[%dma_start3A_121, %dma_start3A_122] : memref<10000x128xf32, #tpu.memory_space<hbm>> -> memref<10000x128xf32, #tpu.memory_space<hbm>>
        tpu.enqueue_indirect_dma source(%dma_start3A_123 : memref<10000x128xf32, #tpu.memory_space<hbm>>) target(%dma_start3A_117 : memref<128x128xf32, #tpu.memory_space<vmem>>) offsets(%dma_start3A_120 : memref<128xi32, #tpu.memory_space<vmem>>) semaphore(%arg12 : memref<!tpu.dma_semaphore, #tpu.memory_space<semaphore_mem>>)
      } else {
      }
    }
    %scan3A_29 = arith.constant 20 : i32
    %run_scoped3A_30 = arith.constant 1 : i32
    "tpu.region"() ({
      %run_scoped3A_67 = tpu.sem_alloc : memref<!tpu.dma_semaphore, #tpu.memory_space<semaphore_mem>>
      %dma_start3A_68 = arith.constant 0 : i32
      %dma_start3A_69 = arith.constant 0 : i32
      %dma_start3A_70 = tpu.memref_slice %arg3[%arg0, %arg1, %run_scoped3A_30, %dma_start3A_68, %dma_start3A_69] : memref<2x16x2x40x128xi32, #tpu.memory_space<hbm>> -> memref<1x1x1x40x128xi32, #tpu.memory_space<hbm>>
      %dma_start3A_71 = tpu.memref_squeeze %dma_start3A_70 : memref<1x1x1x40x128xi32, #tpu.memory_space<hbm>> -> memref<40x128xi32, #tpu.memory_space<hbm>>
      %dma_start3A_72 = arith.constant 0 : i32
      %dma_start3A_73 = arith.constant 0 : i32
      %dma_start3A_74 = tpu.memref_slice %arg3[%arg0, %arg1, %run_scoped3A_30, %dma_start3A_72, %dma_start3A_73] : memref<2x16x2x40x128xi32, #tpu.memory_space<hbm>> -> memref<1x1x1x40x128xi32, #tpu.memory_space<hbm>>
      %dma_start3A_75 = tpu.memref_squeeze %dma_start3A_74 : memref<1x1x1x40x128xi32, #tpu.memory_space<hbm>> -> memref<40x128xi32, #tpu.memory_space<hbm>>
      tpu.enqueue_dma source(%dma_start3A_75 : memref<40x128xi32, #tpu.memory_space<hbm>>) target(%arg7 : memref<40x128xi32, #tpu.memory_space<vmem>>) target_semaphore(%run_scoped3A_67 : memref<!tpu.dma_semaphore, #tpu.memory_space<semaphore_mem>>)
      %dma_wait3A = arith.constant 0 : i32
      %dma_wait3A_76 = arith.constant 0 : i32
      %dma_wait3A_77 = tpu.memref_slice %arg3[%arg0, %arg1, %run_scoped3A_30, %dma_wait3A, %dma_wait3A_76] : memref<2x16x2x40x128xi32, #tpu.memory_space<hbm>> -> memref<1x1x1x40x128xi32, #tpu.memory_space<hbm>>
      %dma_wait3A_78 = tpu.memref_squeeze %dma_wait3A_77 : memref<1x1x1x40x128xi32, #tpu.memory_space<hbm>> -> memref<40x128xi32, #tpu.memory_space<hbm>>
      %dma_wait3A_79 = arith.constant 0 : i32
      %dma_wait3A_80 = arith.constant 0 : i32
      %dma_wait3A_81 = tpu.memref_slice %arg3[%arg0, %arg1, %run_scoped3A_30, %dma_wait3A_79, %dma_wait3A_80] : memref<2x16x2x40x128xi32, #tpu.memory_space<hbm>> -> memref<1x1x1x40x128xi32, #tpu.memory_space<hbm>>
      %dma_wait3A_82 = tpu.memref_squeeze %dma_wait3A_81 : memref<1x1x1x40x128xi32, #tpu.memory_space<hbm>> -> memref<40x128xi32, #tpu.memory_space<hbm>>
      tpu.wait_dma2 semaphore(%run_scoped3A_67 : memref<!tpu.dma_semaphore, #tpu.memory_space<semaphore_mem>>) src(%dma_wait3A_82 : memref<40x128xi32, #tpu.memory_space<hbm>>) dst(%arg7 : memref<40x128xi32, #tpu.memory_space<vmem>>)
      tpu.yield
    }) : () -> ()
    %run_scoped3A_31 = arith.constant 1 : i32
    "tpu.region"() ({
      %run_scoped3A_67 = tpu.sem_alloc : memref<!tpu.dma_semaphore, #tpu.memory_space<semaphore_mem>>
      %dma_start3A_68 = arith.constant 0 : i32
      %dma_start3A_69 = arith.constant 0 : i32
      %dma_start3A_70 = tpu.memref_slice %arg4[%arg0, %arg1, %run_scoped3A_31, %dma_start3A_68, %dma_start3A_69] : memref<2x16x2x40x128xi32, #tpu.memory_space<hbm>> -> memref<1x1x1x40x128xi32, #tpu.memory_space<hbm>>
      %dma_start3A_71 = tpu.memref_squeeze %dma_start3A_70 : memref<1x1x1x40x128xi32, #tpu.memory_space<hbm>> -> memref<40x128xi32, #tpu.memory_space<hbm>>
      %dma_start3A_72 = arith.constant 0 : i32
      %dma_start3A_73 = arith.constant 0 : i32
      %dma_start3A_74 = tpu.memref_slice %arg4[%arg0, %arg1, %run_scoped3A_31, %dma_start3A_72, %dma_start3A_73] : memref<2x16x2x40x128xi32, #tpu.memory_space<hbm>> -> memref<1x1x1x40x128xi32, #tpu.memory_space<hbm>>
      %dma_start3A_75 = tpu.memref_squeeze %dma_start3A_74 : memref<1x1x1x40x128xi32, #tpu.memory_space<hbm>> -> memref<40x128xi32, #tpu.memory_space<hbm>>
      tpu.enqueue_dma source(%dma_start3A_75 : memref<40x128xi32, #tpu.memory_space<hbm>>) target(%arg8 : memref<40x128xi32, #tpu.memory_space<vmem>>) target_semaphore(%run_scoped3A_67 : memref<!tpu.dma_semaphore, #tpu.memory_space<semaphore_mem>>)
      %dma_wait3A = arith.constant 0 : i32
      %dma_wait3A_76 = arith.constant 0 : i32
      %dma_wait3A_77 = tpu.memref_slice %arg4[%arg0, %arg1, %run_scoped3A_31, %dma_wait3A, %dma_wait3A_76] : memref<2x16x2x40x128xi32, #tpu.memory_space<hbm>> -> memref<1x1x1x40x128xi32, #tpu.memory_space<hbm>>
      %dma_wait3A_78 = tpu.memref_squeeze %dma_wait3A_77 : memref<1x1x1x40x128xi32, #tpu.memory_space<hbm>> -> memref<40x128xi32, #tpu.memory_space<hbm>>
      %dma_wait3A_79 = arith.constant 0 : i32
      %dma_wait3A_80 = arith.constant 0 : i32
      %dma_wait3A_81 = tpu.memref_slice %arg4[%arg0, %arg1, %run_scoped3A_31, %dma_wait3A_79, %dma_wait3A_80] : memref<2x16x2x40x128xi32, #tpu.memory_space<hbm>> -> memref<1x1x1x40x128xi32, #tpu.memory_space<hbm>>
      %dma_wait3A_82 = tpu.memref_squeeze %dma_wait3A_81 : memref<1x1x1x40x128xi32, #tpu.memory_space<hbm>> -> memref<40x128xi32, #tpu.memory_space<hbm>>
      tpu.wait_dma2 semaphore(%run_scoped3A_67 : memref<!tpu.dma_semaphore, #tpu.memory_space<semaphore_mem>>) src(%dma_wait3A_82 : memref<40x128xi32, #tpu.memory_space<hbm>>) dst(%arg8 : memref<40x128xi32, #tpu.memory_space<vmem>>)
      tpu.yield
    }) : () -> ()
    %dma_start3A_32 = arith.constant 0 : i32
    %dma_start3A_33 = arith.constant 0 : i32
    %dma_start3A_34 = arith.constant 0 : i32
    %dma_start3A_35 = arith.constant 0 : i32
    %dma_start3A_36 = tpu.memref_slice %arg9[%dma_start3A_33, %dma_start3A_34, %dma_start3A_35] : memref<2x128x128xf32, #tpu.memory_space<vmem>> -> memref<1x128x128xf32, #tpu.memory_space<vmem>>
    %dma_start3A_37 = tpu.memref_squeeze %dma_start3A_36 : memref<1x128x128xf32, #tpu.memory_space<vmem>> -> memref<128x128xf32, #tpu.memory_space<vmem>>
    %dma_start3A_38 = arith.constant 0 : i32
    %dma_start3A_39 = tpu.memref_slice %arg7[%dma_start3A_32, %dma_start3A_38] : memref<40x128xi32, #tpu.memory_space<vmem>> -> memref<1x128xi32, #tpu.memory_space<vmem>>
    %dma_start3A_40 = tpu.memref_squeeze %dma_start3A_39 : memref<1x128xi32, #tpu.memory_space<vmem>> -> memref<128xi32, #tpu.memory_space<vmem>>
    %dma_start3A_41 = arith.constant 0 : i32
    %dma_start3A_42 = arith.constant 0 : i32
    %dma_start3A_43 = tpu.memref_slice %arg2[%dma_start3A_41, %dma_start3A_42] : memref<10000x128xf32, #tpu.memory_space<hbm>> -> memref<10000x128xf32, #tpu.memory_space<hbm>>
    tpu.enqueue_indirect_dma source(%dma_start3A_43 : memref<10000x128xf32, #tpu.memory_space<hbm>>) target(%dma_start3A_37 : memref<128x128xf32, #tpu.memory_space<vmem>>) offsets(%dma_start3A_40 : memref<128xi32, #tpu.memory_space<vmem>>) semaphore(%arg11 : memref<!tpu.dma_semaphore, #tpu.memory_space<semaphore_mem>>)
    %dma_start3A_44 = arith.constant 1 : i32
    %dma_start3A_45 = arith.constant 1 : i32
    %dma_start3A_46 = arith.constant 0 : i32
    %dma_start3A_47 = arith.constant 0 : i32
    %dma_start3A_48 = tpu.memref_slice %arg9[%dma_start3A_45, %dma_start3A_46, %dma_start3A_47] : memref<2x128x128xf32, #tpu.memory_space<vmem>> -> memref<1x128x128xf32, #tpu.memory_space<vmem>>
    %dma_start3A_49 = tpu.memref_squeeze %dma_start3A_48 : memref<1x128x128xf32, #tpu.memory_space<vmem>> -> memref<128x128xf32, #tpu.memory_space<vmem>>
    %dma_start3A_50 = arith.constant 0 : i32
    %dma_start3A_51 = tpu.memref_slice %arg7[%dma_start3A_44, %dma_start3A_50] : memref<40x128xi32, #tpu.memory_space<vmem>> -> memref<1x128xi32, #tpu.memory_space<vmem>>
    %dma_start3A_52 = tpu.memref_squeeze %dma_start3A_51 : memref<1x128xi32, #tpu.memory_space<vmem>> -> memref<128xi32, #tpu.memory_space<vmem>>
    %dma_start3A_53 = arith.constant 0 : i32
    %dma_start3A_54 = arith.constant 0 : i32
    %dma_start3A_55 = tpu.memref_slice %arg2[%dma_start3A_53, %dma_start3A_54] : memref<10000x128xf32, #tpu.memory_space<hbm>> -> memref<10000x128xf32, #tpu.memory_space<hbm>>
    tpu.enqueue_indirect_dma source(%dma_start3A_55 : memref<10000x128xf32, #tpu.memory_space<hbm>>) target(%dma_start3A_49 : memref<128x128xf32, #tpu.memory_space<vmem>>) offsets(%dma_start3A_52 : memref<128xi32, #tpu.memory_space<vmem>>) semaphore(%arg12 : memref<!tpu.dma_semaphore, #tpu.memory_space<semaphore_mem>>)
    %scan3A_56 = arith.constant 0 : i32
    %scan3A_57 = arith.constant 0 : i32
    %scan3A_58 = arith.constant 20 : i32
    %scan3A_59 = arith.addi %scan3A_57, %scan3A_58 : i32
    %scan3A_60 = arith.constant 1 : i32
    scf.for %scan3A_67 = %scan3A_57 to %scan3A_59 step %scan3A_60  : i32 {
      %mul3A_68 = arith.constant 2 : i32
      %mul3A_69 = arith.muli %mul3A_68, %scan3A_67 : i32
      %add3A = arith.constant 0 : i32
      %add3A_70 = arith.addi %mul3A_69, %add3A : i32
      %dma_wait3A = arith.constant 0 : i32
      %dma_wait3A_71 = arith.constant 0 : i32
      %dma_wait3A_72 = arith.constant 0 : i32
      %dma_wait3A_73 = arith.constant 0 : i32
      %dma_wait3A_74 = tpu.memref_slice %arg9[%dma_wait3A_71, %dma_wait3A_72, %dma_wait3A_73] : memref<2x128x128xf32, #tpu.memory_space<vmem>> -> memref<1x128x128xf32, #tpu.memory_space<vmem>>
      %dma_wait3A_75 = tpu.memref_squeeze %dma_wait3A_74 : memref<1x128x128xf32, #tpu.memory_space<vmem>> -> memref<128x128xf32, #tpu.memory_space<vmem>>
      %dma_wait3A_76 = arith.constant 0 : i32
      %dma_wait3A_77 = tpu.memref_slice %arg7[%dma_wait3A, %dma_wait3A_76] : memref<40x128xi32, #tpu.memory_space<vmem>> -> memref<1x128xi32, #tpu.memory_space<vmem>>
      %dma_wait3A_78 = tpu.memref_squeeze %dma_wait3A_77 : memref<1x128xi32, #tpu.memory_space<vmem>> -> memref<128xi32, #tpu.memory_space<vmem>>
      %dma_wait3A_79 = arith.constant 0 : i32
      %dma_wait3A_80 = arith.constant 0 : i32
      %dma_wait3A_81 = tpu.memref_slice %arg2[%dma_wait3A_79, %dma_wait3A_80] : memref<10000x128xf32, #tpu.memory_space<hbm>> -> memref<10000x128xf32, #tpu.memory_space<hbm>>
      tpu.wait_indirect_dma semaphore(%arg11 : memref<!tpu.dma_semaphore, #tpu.memory_space<semaphore_mem>>) src(%dma_wait3A_81 : memref<10000x128xf32, #tpu.memory_space<hbm>>) dst(%dma_wait3A_75 : memref<128x128xf32, #tpu.memory_space<vmem>>)
      %run_scoped3A_82 = arith.constant 0 : i32
      "tpu.region"() ({
        %run_scoped3A_111 = tpu.sem_alloc : memref<!tpu.dma_semaphore, #tpu.memory_space<semaphore_mem>>
        %dma_start3A_112 = arith.constant 0 : i32
        %dma_start3A_113 = arith.constant 0 : i32
        %dma_start3A_114 = tpu.memref_slice %arg9[%run_scoped3A_82, %dma_start3A_112, %dma_start3A_113] : memref<2x128x128xf32, #tpu.memory_space<vmem>> -> memref<1x128x128xf32, #tpu.memory_space<vmem>>
        %dma_start3A_115 = tpu.memref_squeeze %dma_start3A_114 : memref<1x128x128xf32, #tpu.memory_space<vmem>> -> memref<128x128xf32, #tpu.memory_space<vmem>>
        %dma_start3A_116 = arith.constant 0 : i32
        %dma_start3A_117 = tpu.memref_slice %arg8[%add3A_70, %dma_start3A_116] : memref<40x128xi32, #tpu.memory_space<vmem>> -> memref<1x128xi32, #tpu.memory_space<vmem>>
        %dma_start3A_118 = tpu.memref_squeeze %dma_start3A_117 : memref<1x128xi32, #tpu.memory_space<vmem>> -> memref<128xi32, #tpu.memory_space<vmem>>
        %dma_start3A_119 = arith.constant 0 : i32
        %dma_start3A_120 = arith.constant 0 : i32
        %dma_start3A_121 = tpu.memref_slice %arg10[%dma_start3A_119, %dma_start3A_120] : memref<10240x128xf32, #tpu.memory_space<vmem_shared>> -> memref<10240x128xf32, #tpu.memory_space<vmem_shared>>
        tpu.enqueue_indirect_dma source(%dma_start3A_115 : memref<128x128xf32, #tpu.memory_space<vmem>>) target(%dma_start3A_121 : memref<10240x128xf32, #tpu.memory_space<vmem_shared>>) offsets(%dma_start3A_118 : memref<128xi32, #tpu.memory_space<vmem>>) semaphore(%run_scoped3A_111 : memref<!tpu.dma_semaphore, #tpu.memory_space<semaphore_mem>>) {add = true}
        %dma_wait3A_122 = arith.constant 0 : i32
        %dma_wait3A_123 = arith.constant 0 : i32
        %dma_wait3A_124 = tpu.memref_slice %arg9[%run_scoped3A_82, %dma_wait3A_122, %dma_wait3A_123] : memref<2x128x128xf32, #tpu.memory_space<vmem>> -> memref<1x128x128xf32, #tpu.memory_space<vmem>>
        %dma_wait3A_125 = tpu.memref_squeeze %dma_wait3A_124 : memref<1x128x128xf32, #tpu.memory_space<vmem>> -> memref<128x128xf32, #tpu.memory_space<vmem>>
        %dma_wait3A_126 = arith.constant 0 : i32
        %dma_wait3A_127 = tpu.memref_slice %arg8[%add3A_70, %dma_wait3A_126] : memref<40x128xi32, #tpu.memory_space<vmem>> -> memref<1x128xi32, #tpu.memory_space<vmem>>
        %dma_wait3A_128 = tpu.memref_squeeze %dma_wait3A_127 : memref<1x128xi32, #tpu.memory_space<vmem>> -> memref<128xi32, #tpu.memory_space<vmem>>
        %dma_wait3A_129 = arith.constant 0 : i32
        %dma_wait3A_130 = arith.constant 0 : i32
        %dma_wait3A_131 = tpu.memref_slice %arg10[%dma_wait3A_129, %dma_wait3A_130] : memref<10240x128xf32, #tpu.memory_space<vmem_shared>> -> memref<10240x128xf32, #tpu.memory_space<vmem_shared>>
        tpu.wait_indirect_dma semaphore(%run_scoped3A_111 : memref<!tpu.dma_semaphore, #tpu.memory_space<semaphore_mem>>) src(%dma_wait3A_125 : memref<128x128xf32, #tpu.memory_space<vmem>>) dst(%dma_wait3A_131 : memref<10240x128xf32, #tpu.memory_space<vmem_shared>>)
        tpu.yield
      }) : () -> ()
      %add3A_83 = arith.constant 2 : i32
      %add3A_84 = arith.addi %add3A_70, %add3A_83 : i32
      %lt3A = arith.constant 40 : i32
      %lt3A_85 = arith.cmpi slt, %add3A_84, %lt3A : i32
      %convert_element_type3A = arith.extui %lt3A_85 : i1 to i32
      %cond3A = arith.constant 0 : i32
      %cond3A_86 = arith.cmpi ne, %convert_element_type3A, %cond3A : i32
      scf.if %cond3A_86 {
        %add3A_111 = arith.constant 2 : i32
        %add3A_112 = arith.addi %add3A_70, %add3A_111 : i32
        %dma_start3A_113 = arith.constant 0 : i32
        %dma_start3A_114 = arith.constant 0 : i32
        %dma_start3A_115 = arith.constant 0 : i32
        %dma_start3A_116 = tpu.memref_slice %arg9[%dma_start3A_113, %dma_start3A_114, %dma_start3A_115] : memref<2x128x128xf32, #tpu.memory_space<vmem>> -> memref<1x128x128xf32, #tpu.memory_space<vmem>>
        %dma_start3A_117 = tpu.memref_squeeze %dma_start3A_116 : memref<1x128x128xf32, #tpu.memory_space<vmem>> -> memref<128x128xf32, #tpu.memory_space<vmem>>
        %dma_start3A_118 = arith.constant 0 : i32
        %dma_start3A_119 = tpu.memref_slice %arg7[%add3A_112, %dma_start3A_118] : memref<40x128xi32, #tpu.memory_space<vmem>> -> memref<1x128xi32, #tpu.memory_space<vmem>>
        %dma_start3A_120 = tpu.memref_squeeze %dma_start3A_119 : memref<1x128xi32, #tpu.memory_space<vmem>> -> memref<128xi32, #tpu.memory_space<vmem>>
        %dma_start3A_121 = arith.constant 0 : i32
        %dma_start3A_122 = arith.constant 0 : i32
        %dma_start3A_123 = tpu.memref_slice %arg2[%dma_start3A_121, %dma_start3A_122] : memref<10000x128xf32, #tpu.memory_space<hbm>> -> memref<10000x128xf32, #tpu.memory_space<hbm>>
        tpu.enqueue_indirect_dma source(%dma_start3A_123 : memref<10000x128xf32, #tpu.memory_space<hbm>>) target(%dma_start3A_117 : memref<128x128xf32, #tpu.memory_space<vmem>>) offsets(%dma_start3A_120 : memref<128xi32, #tpu.memory_space<vmem>>) semaphore(%arg11 : memref<!tpu.dma_semaphore, #tpu.memory_space<semaphore_mem>>)
      } else {
      }
      %mul3A_87 = arith.constant 2 : i32
      %mul3A_88 = arith.muli %mul3A_87, %scan3A_67 : i32
      %add3A_89 = arith.constant 1 : i32
      %add3A_90 = arith.addi %mul3A_88, %add3A_89 : i32
      %dma_wait3A_91 = arith.constant 0 : i32
      %dma_wait3A_92 = arith.constant 1 : i32
      %dma_wait3A_93 = arith.constant 0 : i32
      %dma_wait3A_94 = arith.constant 0 : i32
      %dma_wait3A_95 = tpu.memref_slice %arg9[%dma_wait3A_92, %dma_wait3A_93, %dma_wait3A_94] : memref<2x128x128xf32, #tpu.memory_space<vmem>> -> memref<1x128x128xf32, #tpu.memory_space<vmem>>
      %dma_wait3A_96 = tpu.memref_squeeze %dma_wait3A_95 : memref<1x128x128xf32, #tpu.memory_space<vmem>> -> memref<128x128xf32, #tpu.memory_space<vmem>>
      %dma_wait3A_97 = arith.constant 0 : i32
      %dma_wait3A_98 = tpu.memref_slice %arg7[%dma_wait3A_91, %dma_wait3A_97] : memref<40x128xi32, #tpu.memory_space<vmem>> -> memref<1x128xi32, #tpu.memory_space<vmem>>
      %dma_wait3A_99 = tpu.memref_squeeze %dma_wait3A_98 : memref<1x128xi32, #tpu.memory_space<vmem>> -> memref<128xi32, #tpu.memory_space<vmem>>
      %dma_wait3A_100 = arith.constant 0 : i32
      %dma_wait3A_101 = arith.constant 0 : i32
      %dma_wait3A_102 = tpu.memref_slice %arg2[%dma_wait3A_100, %dma_wait3A_101] : memref<10000x128xf32, #tpu.memory_space<hbm>> -> memref<10000x128xf32, #tpu.memory_space<hbm>>
      tpu.wait_indirect_dma semaphore(%arg12 : memref<!tpu.dma_semaphore, #tpu.memory_space<semaphore_mem>>) src(%dma_wait3A_102 : memref<10000x128xf32, #tpu.memory_space<hbm>>) dst(%dma_wait3A_96 : memref<128x128xf32, #tpu.memory_space<vmem>>)
      %run_scoped3A_103 = arith.constant 1 : i32
      "tpu.region"() ({
        %run_scoped3A_111 = tpu.sem_alloc : memref<!tpu.dma_semaphore, #tpu.memory_space<semaphore_mem>>
        %dma_start3A_112 = arith.constant 0 : i32
        %dma_start3A_113 = arith.constant 0 : i32
        %dma_start3A_114 = tpu.memref_slice %arg9[%run_scoped3A_103, %dma_start3A_112, %dma_start3A_113] : memref<2x128x128xf32, #tpu.memory_space<vmem>> -> memref<1x128x128xf32, #tpu.memory_space<vmem>>
        %dma_start3A_115 = tpu.memref_squeeze %dma_start3A_114 : memref<1x128x128xf32, #tpu.memory_space<vmem>> -> memref<128x128xf32, #tpu.memory_space<vmem>>
        %dma_start3A_116 = arith.constant 0 : i32
        %dma_start3A_117 = tpu.memref_slice %arg8[%add3A_90, %dma_start3A_116] : memref<40x128xi32, #tpu.memory_space<vmem>> -> memref<1x128xi32, #tpu.memory_space<vmem>>
        %dma_start3A_118 = tpu.memref_squeeze %dma_start3A_117 : memref<1x128xi32, #tpu.memory_space<vmem>> -> memref<128xi32, #tpu.memory_space<vmem>>
        %dma_start3A_119 = arith.constant 0 : i32
        %dma_start3A_120 = arith.constant 0 : i32
        %dma_start3A_121 = tpu.memref_slice %arg10[%dma_start3A_119, %dma_start3A_120] : memref<10240x128xf32, #tpu.memory_space<vmem_shared>> -> memref<10240x128xf32, #tpu.memory_space<vmem_shared>>
        tpu.enqueue_indirect_dma source(%dma_start3A_115 : memref<128x128xf32, #tpu.memory_space<vmem>>) target(%dma_start3A_121 : memref<10240x128xf32, #tpu.memory_space<vmem_shared>>) offsets(%dma_start3A_118 : memref<128xi32, #tpu.memory_space<vmem>>) semaphore(%run_scoped3A_111 : memref<!tpu.dma_semaphore, #tpu.memory_space<semaphore_mem>>) {add = true}
        %dma_wait3A_122 = arith.constant 0 : i32
        %dma_wait3A_123 = arith.constant 0 : i32
        %dma_wait3A_124 = tpu.memref_slice %arg9[%run_scoped3A_103, %dma_wait3A_122, %dma_wait3A_123] : memref<2x128x128xf32, #tpu.memory_space<vmem>> -> memref<1x128x128xf32, #tpu.memory_space<vmem>>
        %dma_wait3A_125 = tpu.memref_squeeze %dma_wait3A_124 : memref<1x128x128xf32, #tpu.memory_space<vmem>> -> memref<128x128xf32, #tpu.memory_space<vmem>>
        %dma_wait3A_126 = arith.constant 0 : i32
        %dma_wait3A_127 = tpu.memref_slice %arg8[%add3A_90, %dma_wait3A_126] : memref<40x128xi32, #tpu.memory_space<vmem>> -> memref<1x128xi32, #tpu.memory_space<vmem>>
        %dma_wait3A_128 = tpu.memref_squeeze %dma_wait3A_127 : memref<1x128xi32, #tpu.memory_space<vmem>> -> memref<128xi32, #tpu.memory_space<vmem>>
        %dma_wait3A_129 = arith.constant 0 : i32
        %dma_wait3A_130 = arith.constant 0 : i32
        %dma_wait3A_131 = tpu.memref_slice %arg10[%dma_wait3A_129, %dma_wait3A_130] : memref<10240x128xf32, #tpu.memory_space<vmem_shared>> -> memref<10240x128xf32, #tpu.memory_space<vmem_shared>>
        tpu.wait_indirect_dma semaphore(%run_scoped3A_111 : memref<!tpu.dma_semaphore, #tpu.memory_space<semaphore_mem>>) src(%dma_wait3A_125 : memref<128x128xf32, #tpu.memory_space<vmem>>) dst(%dma_wait3A_131 : memref<10240x128xf32, #tpu.memory_space<vmem_shared>>)
        tpu.yield
      }) : () -> ()
      %add3A_104 = arith.constant 2 : i32
      %add3A_105 = arith.addi %add3A_90, %add3A_104 : i32
      %lt3A_106 = arith.constant 40 : i32
      %lt3A_107 = arith.cmpi slt, %add3A_105, %lt3A_106 : i32
      %convert_element_type3A_108 = arith.extui %lt3A_107 : i1 to i32
      %cond3A_109 = arith.constant 0 : i32
      %cond3A_110 = arith.cmpi ne, %convert_element_type3A_108, %cond3A_109 : i32
      scf.if %cond3A_110 {
        %add3A_111 = arith.constant 2 : i32
        %add3A_112 = arith.addi %add3A_90, %add3A_111 : i32
        %dma_start3A_113 = arith.constant 1 : i32
        %dma_start3A_114 = arith.constant 0 : i32
        %dma_start3A_115 = arith.constant 0 : i32
        %dma_start3A_116 = tpu.memref_slice %arg9[%dma_start3A_113, %dma_start3A_114, %dma_start3A_115] : memref<2x128x128xf32, #tpu.memory_space<vmem>> -> memref<1x128x128xf32, #tpu.memory_space<vmem>>
        %dma_start3A_117 = tpu.memref_squeeze %dma_start3A_116 : memref<1x128x128xf32, #tpu.memory_space<vmem>> -> memref<128x128xf32, #tpu.memory_space<vmem>>
        %dma_start3A_118 = arith.constant 0 : i32
        %dma_start3A_119 = tpu.memref_slice %arg7[%add3A_112, %dma_start3A_118] : memref<40x128xi32, #tpu.memory_space<vmem>> -> memref<1x128xi32, #tpu.memory_space<vmem>>
        %dma_start3A_120 = tpu.memref_squeeze %dma_start3A_119 : memref<1x128xi32, #tpu.memory_space<vmem>> -> memref<128xi32, #tpu.memory_space<vmem>>
        %dma_start3A_121 = arith.constant 0 : i32
        %dma_start3A_122 = arith.constant 0 : i32
        %dma_start3A_123 = tpu.memref_slice %arg2[%dma_start3A_121, %dma_start3A_122] : memref<10000x128xf32, #tpu.memory_space<hbm>> -> memref<10000x128xf32, #tpu.memory_space<hbm>>
        tpu.enqueue_indirect_dma source(%dma_start3A_123 : memref<10000x128xf32, #tpu.memory_space<hbm>>) target(%dma_start3A_117 : memref<128x128xf32, #tpu.memory_space<vmem>>) offsets(%dma_start3A_120 : memref<128xi32, #tpu.memory_space<vmem>>) semaphore(%arg12 : memref<!tpu.dma_semaphore, #tpu.memory_space<semaphore_mem>>)
      } else {
      }
    }
    %scan3A_61 = arith.constant 20 : i32
    %barrier3A_62 = arith.constant 0 : index
    tpu.barrier barrier_id(%barrier3A_62)
    %mul3A_63 = arith.constant 640 : i32
    %mul3A_64 = arith.muli %arg1, %mul3A_63 : i32
    %mul3A_65 = arith.constant 640 : i32
    %mul3A_66 = arith.muli %arg1, %mul3A_65 : i32
    "tpu.region"() ({
      %run_scoped3A_67 = tpu.sem_alloc : memref<!tpu.dma_semaphore, #tpu.memory_space<semaphore_mem>>
      %dma_start3A_68 = arith.constant 0 : i32
      %dma_start3A_69 = tpu.memref_slice %arg6[%arg0, %mul3A_66, %dma_start3A_68] : memref<2x10240x128xf32, #tpu.memory_space<hbm>> -> memref<1x640x128xf32, #tpu.memory_space<hbm>>
      %dma_start3A_70 = tpu.memref_squeeze %dma_start3A_69 : memref<1x640x128xf32, #tpu.memory_space<hbm>> -> memref<640x128xf32, #tpu.memory_space<hbm>>
      %dma_start3A_71 = arith.constant 0 : i32
      %dma_start3A_72 = tpu.memref_slice %arg10[%mul3A_64, %dma_start3A_71] : memref<10240x128xf32, #tpu.memory_space<vmem_shared>> -> memref<640x128xf32, #tpu.memory_space<vmem_shared>>
      tpu.enqueue_dma source(%dma_start3A_72 : memref<640x128xf32, #tpu.memory_space<vmem_shared>>) target(%dma_start3A_70 : memref<640x128xf32, #tpu.memory_space<hbm>>) target_semaphore(%run_scoped3A_67 : memref<!tpu.dma_semaphore, #tpu.memory_space<semaphore_mem>>)
      %dma_wait3A = arith.constant 0 : i32
      %dma_wait3A_73 = tpu.memref_slice %arg6[%arg0, %mul3A_66, %dma_wait3A] : memref<2x10240x128xf32, #tpu.memory_space<hbm>> -> memref<1x640x128xf32, #tpu.memory_space<hbm>>
      %dma_wait3A_74 = tpu.memref_squeeze %dma_wait3A_73 : memref<1x640x128xf32, #tpu.memory_space<hbm>> -> memref<640x128xf32, #tpu.memory_space<hbm>>
      %dma_wait3A_75 = arith.constant 0 : i32
      %dma_wait3A_76 = tpu.memref_slice %arg10[%mul3A_64, %dma_wait3A_75] : memref<10240x128xf32, #tpu.memory_space<vmem_shared>> -> memref<640x128xf32, #tpu.memory_space<vmem_shared>>
      tpu.wait_dma2 semaphore(%run_scoped3A_67 : memref<!tpu.dma_semaphore, #tpu.memory_space<semaphore_mem>>) src(%dma_wait3A_76 : memref<640x128xf32, #tpu.memory_space<vmem_shared>>) dst(%dma_wait3A_74 : memref<640x128xf32, #tpu.memory_space<hbm>>)
      tpu.yield
    }) : () -> ()
    return
  }
}

#map = affine_map<(d0, d1) -> (0, 0, 0, 0)>
#map1 = affine_map<(d0, d1) -> (0)>
#map2 = affine_map<(d0, d1) -> (0, 0)>
module attributes {stable_mosaic.version = 14 : i64} {
  func.func @_deg_kernel(%arg0: i32, %arg1: i32, %arg2: memref<2x16x80x128xi32, #tpu.memory_space<hbm>>, %arg3: memref<640xf32, #tpu.memory_space<hbm>>, %arg4: memref<128xf32, #tpu.memory_space<hbm>>, %arg5: memref<2x10240xf32, #tpu.memory_space<hbm>>, %arg6: memref<80x128xi32, #tpu.memory_space<vmem>>, %arg7: memref<128xf32, #tpu.memory_space<vmem>>, %arg8: memref<10240xf32, #tpu.memory_space<vmem_shared>>, %arg9: memref<!tpu.dma_semaphore, #tpu.memory_space<semaphore_mem>>) attributes {dimension_semantics = [#tpu.dimension_semantics<core_parallel>, #tpu.dimension_semantics<subcore_parallel>], iteration_bounds = array<i64: 2, 16>, scalar_prefetch = 0 : i64, scratch_operands = 4 : i64, tpu.core_type = #tpu.core_type<sc_vector_subcore>, window_params = [{transform_indices = #map}, {transform_indices = #map1}, {transform_indices = #map1}, {transform_indices = #map2}]} {
    %mul3A = arith.constant 640 : i32
    %mul3A_0 = arith.muli %arg1, %mul3A : i32
    "tpu.region"() ({
      %run_scoped3A = tpu.sem_alloc : memref<!tpu.dma_semaphore, #tpu.memory_space<semaphore_mem>>
      %dma_start3A = tpu.memref_slice %arg8[%mul3A_0] : memref<10240xf32, #tpu.memory_space<vmem_shared>> -> memref<640xf32, #tpu.memory_space<vmem_shared>>
      tpu.enqueue_dma source(%arg3 : memref<640xf32, #tpu.memory_space<hbm>>) target(%dma_start3A : memref<640xf32, #tpu.memory_space<vmem_shared>>) target_semaphore(%run_scoped3A : memref<!tpu.dma_semaphore, #tpu.memory_space<semaphore_mem>>)
      %dma_wait3A = tpu.memref_slice %arg8[%mul3A_0] : memref<10240xf32, #tpu.memory_space<vmem_shared>> -> memref<640xf32, #tpu.memory_space<vmem_shared>>
      tpu.wait_dma2 semaphore(%run_scoped3A : memref<!tpu.dma_semaphore, #tpu.memory_space<semaphore_mem>>) src(%arg3 : memref<640xf32, #tpu.memory_space<hbm>>) dst(%dma_wait3A : memref<640xf32, #tpu.memory_space<vmem_shared>>)
      tpu.yield
    }) : () -> ()
    "tpu.region"() ({
      %run_scoped3A = tpu.sem_alloc : memref<!tpu.dma_semaphore, #tpu.memory_space<semaphore_mem>>
      tpu.enqueue_dma source(%arg4 : memref<128xf32, #tpu.memory_space<hbm>>) target(%arg7 : memref<128xf32, #tpu.memory_space<vmem>>) target_semaphore(%run_scoped3A : memref<!tpu.dma_semaphore, #tpu.memory_space<semaphore_mem>>)
      tpu.wait_dma2 semaphore(%run_scoped3A : memref<!tpu.dma_semaphore, #tpu.memory_space<semaphore_mem>>) src(%arg4 : memref<128xf32, #tpu.memory_space<hbm>>) dst(%arg7 : memref<128xf32, #tpu.memory_space<vmem>>)
      tpu.yield
    }) : () -> ()
    "tpu.region"() ({
      %run_scoped3A = tpu.sem_alloc : memref<!tpu.dma_semaphore, #tpu.memory_space<semaphore_mem>>
      %dma_start3A = arith.constant 0 : i32
      %dma_start3A_17 = arith.constant 0 : i32
      %dma_start3A_18 = tpu.memref_slice %arg2[%arg0, %arg1, %dma_start3A, %dma_start3A_17] : memref<2x16x80x128xi32, #tpu.memory_space<hbm>> -> memref<1x1x80x128xi32, #tpu.memory_space<hbm>>
      %dma_start3A_19 = tpu.memref_squeeze %dma_start3A_18 : memref<1x1x80x128xi32, #tpu.memory_space<hbm>> -> memref<80x128xi32, #tpu.memory_space<hbm>>
      %dma_start3A_20 = arith.constant 0 : i32
      %dma_start3A_21 = arith.constant 0 : i32
      %dma_start3A_22 = tpu.memref_slice %arg2[%arg0, %arg1, %dma_start3A_20, %dma_start3A_21] : memref<2x16x80x128xi32, #tpu.memory_space<hbm>> -> memref<1x1x80x128xi32, #tpu.memory_space<hbm>>
      %dma_start3A_23 = tpu.memref_squeeze %dma_start3A_22 : memref<1x1x80x128xi32, #tpu.memory_space<hbm>> -> memref<80x128xi32, #tpu.memory_space<hbm>>
      tpu.enqueue_dma source(%dma_start3A_23 : memref<80x128xi32, #tpu.memory_space<hbm>>) target(%arg6 : memref<80x128xi32, #tpu.memory_space<vmem>>) target_semaphore(%run_scoped3A : memref<!tpu.dma_semaphore, #tpu.memory_space<semaphore_mem>>)
      %dma_wait3A = arith.constant 0 : i32
      %dma_wait3A_24 = arith.constant 0 : i32
      %dma_wait3A_25 = tpu.memref_slice %arg2[%arg0, %arg1, %dma_wait3A, %dma_wait3A_24] : memref<2x16x80x128xi32, #tpu.memory_space<hbm>> -> memref<1x1x80x128xi32, #tpu.memory_space<hbm>>
      %dma_wait3A_26 = tpu.memref_squeeze %dma_wait3A_25 : memref<1x1x80x128xi32, #tpu.memory_space<hbm>> -> memref<80x128xi32, #tpu.memory_space<hbm>>
      %dma_wait3A_27 = arith.constant 0 : i32
      %dma_wait3A_28 = arith.constant 0 : i32
      %dma_wait3A_29 = tpu.memref_slice %arg2[%arg0, %arg1, %dma_wait3A_27, %dma_wait3A_28] : memref<2x16x80x128xi32, #tpu.memory_space<hbm>> -> memref<1x1x80x128xi32, #tpu.memory_space<hbm>>
      %dma_wait3A_30 = tpu.memref_squeeze %dma_wait3A_29 : memref<1x1x80x128xi32, #tpu.memory_space<hbm>> -> memref<80x128xi32, #tpu.memory_space<hbm>>
      tpu.wait_dma2 semaphore(%run_scoped3A : memref<!tpu.dma_semaphore, #tpu.memory_space<semaphore_mem>>) src(%dma_wait3A_30 : memref<80x128xi32, #tpu.memory_space<hbm>>) dst(%arg6 : memref<80x128xi32, #tpu.memory_space<vmem>>)
      tpu.yield
    }) : () -> ()
    %barrier3A = arith.constant 0 : index
    tpu.barrier barrier_id(%barrier3A)
    %scan3A = arith.constant 0 : i32
    %scan3A_1 = arith.constant 0 : i32
    %scan3A_2 = arith.constant 80 : i32
    %scan3A_3 = arith.addi %scan3A_1, %scan3A_2 : i32
    %scan3A_4 = arith.constant 1 : i32
    scf.for %scan3A_17 = %scan3A_1 to %scan3A_3 step %scan3A_4  : i32 {
      %dma_start3A = arith.constant 0 : i32
      %dma_start3A_18 = tpu.memref_slice %arg6[%scan3A_17, %dma_start3A] : memref<80x128xi32, #tpu.memory_space<vmem>> -> memref<1x128xi32, #tpu.memory_space<vmem>>
      %dma_start3A_19 = tpu.memref_squeeze %dma_start3A_18 : memref<1x128xi32, #tpu.memory_space<vmem>> -> memref<128xi32, #tpu.memory_space<vmem>>
      %dma_start3A_20 = arith.constant 0 : i32
      %dma_start3A_21 = tpu.memref_slice %arg8[%dma_start3A_20] : memref<10240xf32, #tpu.memory_space<vmem_shared>> -> memref<10240xf32, #tpu.memory_space<vmem_shared>>
      tpu.enqueue_indirect_dma source(%arg7 : memref<128xf32, #tpu.memory_space<vmem>>) target(%dma_start3A_21 : memref<10240xf32, #tpu.memory_space<vmem_shared>>) offsets(%dma_start3A_19 : memref<128xi32, #tpu.memory_space<vmem>>) semaphore(%arg9 : memref<!tpu.dma_semaphore, #tpu.memory_space<semaphore_mem>>) {add = true}
    }
    %scan3A_5 = arith.constant 80 : i32
    %scan3A_6 = arith.constant 0 : i32
    %scan3A_7 = arith.constant 0 : i32
    %scan3A_8 = arith.constant 80 : i32
    %scan3A_9 = arith.addi %scan3A_7, %scan3A_8 : i32
    %scan3A_10 = arith.constant 1 : i32
    scf.for %scan3A_17 = %scan3A_7 to %scan3A_9 step %scan3A_10  : i32 {
      %dma_wait3A = arith.constant 0 : i32
      %dma_wait3A_18 = arith.constant 0 : i32
      %dma_wait3A_19 = tpu.memref_slice %arg6[%dma_wait3A, %dma_wait3A_18] : memref<80x128xi32, #tpu.memory_space<vmem>> -> memref<1x128xi32, #tpu.memory_space<vmem>>
      %dma_wait3A_20 = tpu.memref_squeeze %dma_wait3A_19 : memref<1x128xi32, #tpu.memory_space<vmem>> -> memref<128xi32, #tpu.memory_space<vmem>>
      %dma_wait3A_21 = arith.constant 0 : i32
      %dma_wait3A_22 = tpu.memref_slice %arg8[%dma_wait3A_21] : memref<10240xf32, #tpu.memory_space<vmem_shared>> -> memref<10240xf32, #tpu.memory_space<vmem_shared>>
      tpu.wait_indirect_dma semaphore(%arg9 : memref<!tpu.dma_semaphore, #tpu.memory_space<semaphore_mem>>) src(%arg7 : memref<128xf32, #tpu.memory_space<vmem>>) dst(%dma_wait3A_22 : memref<10240xf32, #tpu.memory_space<vmem_shared>>)
    }
    %scan3A_11 = arith.constant 80 : i32
    %barrier3A_12 = arith.constant 0 : index
    tpu.barrier barrier_id(%barrier3A_12)
    %mul3A_13 = arith.constant 640 : i32
    %mul3A_14 = arith.muli %arg1, %mul3A_13 : i32
    %mul3A_15 = arith.constant 640 : i32
    %mul3A_16 = arith.muli %arg1, %mul3A_15 : i32
    "tpu.region"() ({
      %run_scoped3A = tpu.sem_alloc : memref<!tpu.dma_semaphore, #tpu.memory_space<semaphore_mem>>
      %dma_start3A = tpu.memref_slice %arg5[%arg0, %mul3A_16] : memref<2x10240xf32, #tpu.memory_space<hbm>> -> memref<1x640xf32, #tpu.memory_space<hbm>>
      %dma_start3A_17 = tpu.memref_squeeze %dma_start3A : memref<1x640xf32, #tpu.memory_space<hbm>> -> memref<640xf32, #tpu.memory_space<hbm>>
      %dma_start3A_18 = tpu.memref_slice %arg8[%mul3A_14] : memref<10240xf32, #tpu.memory_space<vmem_shared>> -> memref<640xf32, #tpu.memory_space<vmem_shared>>
      tpu.enqueue_dma source(%dma_start3A_18 : memref<640xf32, #tpu.memory_space<vmem_shared>>) target(%dma_start3A_17 : memref<640xf32, #tpu.memory_space<hbm>>) target_semaphore(%run_scoped3A : memref<!tpu.dma_semaphore, #tpu.memory_space<semaphore_mem>>)
      %dma_wait3A = tpu.memref_slice %arg5[%arg0, %mul3A_16] : memref<2x10240xf32, #tpu.memory_space<hbm>> -> memref<1x640xf32, #tpu.memory_space<hbm>>
      %dma_wait3A_19 = tpu.memref_squeeze %dma_wait3A : memref<1x640xf32, #tpu.memory_space<hbm>> -> memref<640xf32, #tpu.memory_space<hbm>>
      %dma_wait3A_20 = tpu.memref_slice %arg8[%mul3A_14] : memref<10240xf32, #tpu.memory_space<vmem_shared>> -> memref<640xf32, #tpu.memory_space<vmem_shared>>
      tpu.wait_dma2 semaphore(%run_scoped3A : memref<!tpu.dma_semaphore, #tpu.memory_space<semaphore_mem>>) src(%dma_wait3A_20 : memref<640xf32, #tpu.memory_space<vmem_shared>>) dst(%dma_wait3A_19 : memref<640xf32, #tpu.memory_space<hbm>>)
      tpu.yield
    }) : () -> ()
    return
  }
}

module attributes {stable_mosaic.version = 14 : i64} {
  func.func @_prescale_body(%arg0: i32, %arg1: memref<2x1000x1xf32, #tpu.memory_space<vmem>>, %arg2: memref<1000x128xf32, #tpu.memory_space<vmem>>, %arg3: memref<1000x128xf32, #tpu.memory_space<vmem>>, %arg4: memref<1000x1xf32, #tpu.memory_space<vmem>>) attributes {dimension_semantics = [#tpu.dimension_semantics<arbitrary>], iteration_bounds = array<i64: 10>, scalar_prefetch = 0 : i64, scratch_operands = 0 : i64, tpu.core_type = #tpu.core_type<tc>, window_params = [{transform_indices = @transform_0, window_bounds = array<i64: 2, 1000, 1>}, {transform_indices = @transform_1, window_bounds = array<i64: 1000, 128>}, {transform_indices = @transform_2, window_bounds = array<i64: 1000, 128>}, {transform_indices = @transform_3, window_bounds = array<i64: 1000, 1>}]} {
    %get3A = arith.constant 0 : index
    %get3A_0 = arith.constant 0 : index
    %get3A_1 = arith.constant 0 : index
    %get3A_2 = vector.load %arg1[%get3A, %get3A_0, %get3A_1] : memref<2x1000x1xf32, #tpu.memory_space<vmem>>, vector<1x1000x1xf32>
    %get3A_3 = vector.shape_cast %get3A_2 : vector<1x1000x1xf32> to vector<1000x1xf32>
    %get3A_4 = arith.constant 1 : index
    %get3A_5 = arith.constant 0 : index
    %get3A_6 = arith.constant 0 : index
    %get3A_7 = vector.load %arg1[%get3A_4, %get3A_5, %get3A_6] : memref<2x1000x1xf32, #tpu.memory_space<vmem>>, vector<1x1000x1xf32>
    %get3A_8 = vector.shape_cast %get3A_7 : vector<1x1000x1xf32> to vector<1000x1xf32>
    %add3A = arith.addf %get3A_3, %get3A_8 : vector<1000x1xf32>
    %add3A_9 = arith.constant 1.000000e+00 : f32
    %add3A_10 = vector.broadcast %add3A_9 : f32 to vector<1000x1xf32>
    %add3A_11 = arith.addf %add3A, %add3A_10 : vector<1000x1xf32>
    %rsqrt3A = math.rsqrt %add3A_11 : vector<1000x1xf32>
    %get3A_12 = arith.constant 0 : index
    %get3A_13 = arith.constant 0 : index
    %get3A_14 = vector.load %arg2[%get3A_12, %get3A_13] : memref<1000x128xf32, #tpu.memory_space<vmem>>, vector<1000x128xf32>
    %mul3A = vector.broadcast %rsqrt3A : vector<1000x1xf32> to vector<1000x128xf32>
    %mul3A_15 = arith.mulf %get3A_14, %mul3A : vector<1000x128xf32>
    %swap3A = arith.constant 0 : index
    %swap3A_16 = arith.constant 0 : index
    %swap3A_17 = vector.load %arg3[%swap3A, %swap3A_16] : memref<1000x128xf32, #tpu.memory_space<vmem>>, vector<1000x128xf32>
    tpu.vector_store %arg3[%swap3A, %swap3A_16], %mul3A_15 {strides = array<i32>} : memref<1000x128xf32, #tpu.memory_space<vmem>>, vector<1000x128xf32>,
    %div3A = arith.divf %rsqrt3A, %add3A_11 : vector<1000x1xf32>
    %swap3A_18 = arith.constant 0 : index
    %swap3A_19 = arith.constant 0 : index
    %swap3A_20 = vector.load %arg4[%swap3A_18, %swap3A_19] : memref<1000x1xf32, #tpu.memory_space<vmem>>, vector<1000x1xf32>
    tpu.vector_store %arg4[%swap3A_18, %swap3A_19], %div3A {strides = array<i32>} : memref<1000x1xf32, #tpu.memory_space<vmem>>, vector<1000x1xf32>,
    return
  }
  func.func @transform_0(%arg0: i32) -> (i32, i32, i32) {
    %c0_i32 = arith.constant 0 : i32
    %c0_i32_0 = arith.constant 0 : i32
    %c0_i32_1 = arith.constant 0 : i32
    return %c0_i32, %arg0, %c0_i32_0 : i32, i32, i32
  }
  func.func @transform_1(%arg0: i32) -> (i32, i32) {
    %c0_i32 = arith.constant 0 : i32
    %c0_i32_0 = arith.constant 0 : i32
    return %arg0, %c0_i32 : i32, i32
  }
  func.func @transform_2(%arg0: i32) -> (i32, i32) {
    %c0_i32 = arith.constant 0 : i32
    %c0_i32_0 = arith.constant 0 : i32
    return %arg0, %c0_i32 : i32, i32
  }
  func.func @transform_3(%arg0: i32) -> (i32, i32) {
    %c0_i32 = arith.constant 0 : i32
    %c0_i32_0 = arith.constant 0 : i32
    return %arg0, %c0_i32 : i32, i32
  }
}

module attributes {stable_mosaic.version = 14 : i64} {
  func.func @_dense_body(%arg0: i32, %arg1: memref<1000x128xf32, #tpu.memory_space<vmem>>, %arg2: memref<2x1000x128xf32, #tpu.memory_space<vmem>>, %arg3: memref<1000x128xf32, #tpu.memory_space<vmem>>, %arg4: memref<1000x1xf32, #tpu.memory_space<vmem>>, %arg5: memref<128x128xf32, #tpu.memory_space<vmem>>, %arg6: memref<1x128xf32, #tpu.memory_space<vmem>>, %arg7: memref<128x16xf32, #tpu.memory_space<vmem>>, %arg8: memref<16x128xf32, #tpu.memory_space<vmem>>, %arg9: memref<128x128xf32, #tpu.memory_space<vmem>>, %arg10: memref<1x128xf32, #tpu.memory_space<vmem>>, %arg11: memref<128x16xf32, #tpu.memory_space<vmem>>, %arg12: memref<16x128xf32, #tpu.memory_space<vmem>>, %arg13: memref<1x128xf32, #tpu.memory_space<vmem>>, %arg14: memref<1x128xf32, #tpu.memory_space<vmem>>, %arg15: memref<1000x128xf32, #tpu.memory_space<vmem>>) attributes {dimension_semantics = [#tpu.dimension_semantics<arbitrary>], iteration_bounds = array<i64: 10>, scalar_prefetch = 0 : i64, scratch_operands = 0 : i64, tpu.core_type = #tpu.core_type<tc>, window_params = [{transform_indices = @transform_0, window_bounds = array<i64: 1000, 128>}, {transform_indices = @transform_1, window_bounds = array<i64: 2, 1000, 128>}, {transform_indices = @transform_2, window_bounds = array<i64: 1000, 128>}, {transform_indices = @transform_3, window_bounds = array<i64: 1000, 1>}, {pipeline_mode = #tpu.pipeline_mode<synchronous>, transform_indices = @transform_4, window_bounds = array<i64: 128, 128>}, {pipeline_mode = #tpu.pipeline_mode<synchronous>, transform_indices = @transform_5, window_bounds = array<i64: 1, 128>}, {pipeline_mode = #tpu.pipeline_mode<synchronous>, transform_indices = @transform_6, window_bounds = array<i64: 128, 16>}, {pipeline_mode = #tpu.pipeline_mode<synchronous>, transform_indices = @transform_7, window_bounds = array<i64: 16, 128>}, {pipeline_mode = #tpu.pipeline_mode<synchronous>, transform_indices = @transform_8, window_bounds = array<i64: 128, 128>}, {pipeline_mode = #tpu.pipeline_mode<synchronous>, transform_indices = @transform_9, window_bounds = array<i64: 1, 128>}, {pipeline_mode = #tpu.pipeline_mode<synchronous>, transform_indices = @transform_10, window_bounds = array<i64: 128, 16>}, {pipeline_mode = #tpu.pipeline_mode<synchronous>, transform_indices = @transform_11, window_bounds = array<i64: 16, 128>}, {pipeline_mode = #tpu.pipeline_mode<synchronous>, transform_indices = @transform_12, window_bounds = array<i64: 1, 128>}, {pipeline_mode = #tpu.pipeline_mode<synchronous>, transform_indices = @transform_13, window_bounds = array<i64: 1, 128>}, {transform_indices = @transform_14, window_bounds = array<i64: 1000, 128>}]} {
    %get3A = arith.constant 0 : index
    %get3A_0 = arith.constant 0 : index
    %get3A_1 = vector.load %arg1[%get3A, %get3A_0] : memref<1000x128xf32, #tpu.memory_space<vmem>>, vector<1000x128xf32>
    %get3A_2 = arith.constant 0 : index
    %get3A_3 = arith.constant 0 : index
    %get3A_4 = vector.load %arg4[%get3A_2, %get3A_3] : memref<1000x1xf32, #tpu.memory_space<vmem>>, vector<1000x1xf32>
    %get3A_5 = arith.constant 0 : index
    %get3A_6 = arith.constant 0 : index
    %get3A_7 = arith.constant 0 : index
    %get3A_8 = vector.load %arg2[%get3A_5, %get3A_6, %get3A_7] : memref<2x1000x128xf32, #tpu.memory_space<vmem>>, vector<1x1000x128xf32>
    %get3A_9 = vector.shape_cast %get3A_8 : vector<1x1000x128xf32> to vector<1000x128xf32>
    %get3A_10 = arith.constant 1 : index
    %get3A_11 = arith.constant 0 : index
    %get3A_12 = arith.constant 0 : index
    %get3A_13 = vector.load %arg2[%get3A_10, %get3A_11, %get3A_12] : memref<2x1000x128xf32, #tpu.memory_space<vmem>>, vector<1x1000x128xf32>
    %get3A_14 = vector.shape_cast %get3A_13 : vector<1x1000x128xf32> to vector<1000x128xf32>
    %add3A = arith.addf %get3A_9, %get3A_14 : vector<1000x128xf32>
    %get3A_15 = arith.constant 0 : index
    %get3A_16 = arith.constant 0 : index
    %get3A_17 = vector.load %arg3[%get3A_15, %get3A_16] : memref<1000x128xf32, #tpu.memory_space<vmem>>, vector<1000x128xf32>
    %add3A_18 = arith.addf %add3A, %get3A_17 : vector<1000x128xf32>
    %mul3A = vector.broadcast %get3A_4 : vector<1000x1xf32> to vector<1000x128xf32>
    %mul3A_19 = arith.mulf %mul3A, %add3A_18 : vector<1000x128xf32>
    %get3A_20 = arith.constant 0 : index
    %get3A_21 = arith.constant 0 : index
    %get3A_22 = vector.load %arg5[%get3A_20, %get3A_21] : memref<128x128xf32, #tpu.memory_space<vmem>>, vector<128x128xf32>
    %dot_general3A = arith.constant dense<0.000000e+00> : vector<1000x128xf32>
    %dot_general3A_23 = tpu.matmul %mul3A_19, %get3A_22, %dot_general3A {dimension_numbers = #tpu.dot_dimension_numbers<[1], [0], [0], [1], [0, 0, 1, 1], [], []>, transpose_lhs_hint = false} : vector<1000x128xf32>, vector<128x128xf32>, vector<1000x128xf32> -> vector<1000x128xf32>
    %get3A_24 = arith.constant 0 : index
    %get3A_25 = arith.constant 0 : index
    %get3A_26 = vector.load %arg6[%get3A_24, %get3A_25] : memref<1x128xf32, #tpu.memory_space<vmem>>, vector<1x128xf32>
    %add3A_27 = vector.broadcast %get3A_26 : vector<1x128xf32> to vector<1000x128xf32>
    %add3A_28 = arith.addf %dot_general3A_23, %add3A_27 : vector<1000x128xf32>
    %get3A_29 = arith.constant 0 : index
    %get3A_30 = arith.constant 0 : index
    %get3A_31 = vector.load %arg7[%get3A_29, %get3A_30] : memref<128x16xf32, #tpu.memory_space<vmem>>, vector<128x16xf32>
    %dot_general3A_32 = arith.constant dense<0.000000e+00> : vector<1000x16xf32>
    %dot_general3A_33 = tpu.matmul %mul3A_19, %get3A_31, %dot_general3A_32 {dimension_numbers = #tpu.dot_dimension_numbers<[1], [0], [0], [1], [0, 0, 1, 1], [], []>, transpose_lhs_hint = false} : vector<1000x128xf32>, vector<128x16xf32>, vector<1000x16xf32> -> vector<1000x16xf32>
    %get3A_34 = arith.constant 0 : index
    %get3A_35 = arith.constant 0 : index
    %get3A_36 = vector.load %arg8[%get3A_34, %get3A_35] : memref<16x128xf32, #tpu.memory_space<vmem>>, vector<16x128xf32>
    %dot_general3A_37 = arith.constant dense<0.000000e+00> : vector<1000x128xf32>
    %dot_general3A_38 = tpu.matmul %dot_general3A_33, %get3A_36, %dot_general3A_37 {dimension_numbers = #tpu.dot_dimension_numbers<[1], [0], [0], [1], [0, 0, 1, 1], [], []>, transpose_lhs_hint = false} : vector<1000x16xf32>, vector<16x128xf32>, vector<1000x128xf32> -> vector<1000x128xf32>
    %mul3A_39 = arith.constant 2.000000e+00 : f32
    %mul3A_40 = vector.broadcast %mul3A_39 : f32 to vector<1000x128xf32>
    %mul3A_41 = arith.mulf %mul3A_40, %dot_general3A_38 : vector<1000x128xf32>
    %add3A_42 = arith.addf %add3A_28, %mul3A_41 : vector<1000x128xf32>
    %get3A_43 = arith.constant 0 : index
    %get3A_44 = arith.constant 0 : index
    %get3A_45 = vector.load %arg9[%get3A_43, %get3A_44] : memref<128x128xf32, #tpu.memory_space<vmem>>, vector<128x128xf32>
    %dot_general3A_46 = arith.constant dense<0.000000e+00> : vector<1000x128xf32>
    %dot_general3A_47 = tpu.matmul %get3A_1, %get3A_45, %dot_general3A_46 {dimension_numbers = #tpu.dot_dimension_numbers<[1], [0], [0], [1], [0, 0, 1, 1], [], []>, transpose_lhs_hint = false} : vector<1000x128xf32>, vector<128x128xf32>, vector<1000x128xf32> -> vector<1000x128xf32>
    %get3A_48 = arith.constant 0 : index
    %get3A_49 = arith.constant 0 : index
    %get3A_50 = vector.load %arg10[%get3A_48, %get3A_49] : memref<1x128xf32, #tpu.memory_space<vmem>>, vector<1x128xf32>
    %add3A_51 = vector.broadcast %get3A_50 : vector<1x128xf32> to vector<1000x128xf32>
    %add3A_52 = arith.addf %dot_general3A_47, %add3A_51 : vector<1000x128xf32>
    %get3A_53 = arith.constant 0 : index
    %get3A_54 = arith.constant 0 : index
    %get3A_55 = vector.load %arg11[%get3A_53, %get3A_54] : memref<128x16xf32, #tpu.memory_space<vmem>>, vector<128x16xf32>
    %dot_general3A_56 = arith.constant dense<0.000000e+00> : vector<1000x16xf32>
    %dot_general3A_57 = tpu.matmul %get3A_1, %get3A_55, %dot_general3A_56 {dimension_numbers = #tpu.dot_dimension_numbers<[1], [0], [0], [1], [0, 0, 1, 1], [], []>, transpose_lhs_hint = false} : vector<1000x128xf32>, vector<128x16xf32>, vector<1000x16xf32> -> vector<1000x16xf32>
    %get3A_58 = arith.constant 0 : index
    %get3A_59 = arith.constant 0 : index
    %get3A_60 = vector.load %arg12[%get3A_58, %get3A_59] : memref<16x128xf32, #tpu.memory_space<vmem>>, vector<16x128xf32>
    %dot_general3A_61 = arith.constant dense<0.000000e+00> : vector<1000x128xf32>
    %dot_general3A_62 = tpu.matmul %dot_general3A_57, %get3A_60, %dot_general3A_61 {dimension_numbers = #tpu.dot_dimension_numbers<[1], [0], [0], [1], [0, 0, 1, 1], [], []>, transpose_lhs_hint = false} : vector<1000x16xf32>, vector<16x128xf32>, vector<1000x128xf32> -> vector<1000x128xf32>
    %mul3A_63 = arith.constant 2.000000e+00 : f32
    %mul3A_64 = vector.broadcast %mul3A_63 : f32 to vector<1000x128xf32>
    %mul3A_65 = arith.mulf %mul3A_64, %dot_general3A_62 : vector<1000x128xf32>
    %add3A_66 = arith.addf %add3A_52, %mul3A_65 : vector<1000x128xf32>
    %logistic3A = arith.negf %add3A_66 : vector<1000x128xf32>
    %logistic3A_67 = math.exp %logistic3A : vector<1000x128xf32>
    %logistic3A_68 = arith.constant 1.000000e+00 : f32
    %logistic3A_69 = vector.broadcast %logistic3A_68 : f32 to vector<1000x128xf32>
    %logistic3A_70 = arith.addf %logistic3A_69, %logistic3A_67 : vector<1000x128xf32>
    %logistic3A_71 = arith.divf %logistic3A_69, %logistic3A_70 : vector<1000x128xf32>
    %mul3A_72 = arith.mulf %logistic3A_71, %add3A_42 : vector<1000x128xf32>
    %add3A_73 = arith.addf %get3A_1, %mul3A_72 : vector<1000x128xf32>
    %reduce_sum3A = arith.constant dense<0.000000e+00> : vector<1000xf32>
    %reduce_sum3A_74 = vector.multi_reduction <add>, %add3A_73, %reduce_sum3A [1] : vector<1000x128xf32> to vector<1000xf32>
    %broadcast_in_dim3A = vector.shape_cast %reduce_sum3A_74 : vector<1000xf32> to vector<1000x1xf32>
    %div3A = arith.constant 1.280000e+02 : f32
    %div3A_75 = vector.broadcast %div3A : f32 to vector<1000x1xf32>
    %div3A_76 = arith.divf %broadcast_in_dim3A, %div3A_75 : vector<1000x1xf32>
    %sub3A = vector.broadcast %div3A_76 : vector<1000x1xf32> to vector<1000x128xf32>
    %sub3A_77 = arith.subf %add3A_73, %sub3A : vector<1000x128xf32>
    %mul3A_78 = arith.mulf %sub3A_77, %sub3A_77 : vector<1000x128xf32>
    %reduce_sum3A_79 = arith.constant dense<0.000000e+00> : vector<1000xf32>
    %reduce_sum3A_80 = vector.multi_reduction <add>, %mul3A_78, %reduce_sum3A_79 [1] : vector<1000x128xf32> to vector<1000xf32>
    %broadcast_in_dim3A_81 = vector.shape_cast %reduce_sum3A_80 : vector<1000xf32> to vector<1000x1xf32>
    %div3A_82 = arith.constant 1.280000e+02 : f32
    %div3A_83 = vector.broadcast %div3A_82 : f32 to vector<1000x1xf32>
    %div3A_84 = arith.divf %broadcast_in_dim3A_81, %div3A_83 : vector<1000x1xf32>
    %add3A_85 = arith.constant 9.99999974E-6 : f32
    %add3A_86 = vector.broadcast %add3A_85 : f32 to vector<1000x1xf32>
    %add3A_87 = arith.addf %div3A_84, %add3A_86 : vector<1000x1xf32>
    %rsqrt3A = math.rsqrt %add3A_87 : vector<1000x1xf32>
    %mul3A_88 = vector.broadcast %rsqrt3A : vector<1000x1xf32> to vector<1000x128xf32>
    %mul3A_89 = arith.mulf %sub3A_77, %mul3A_88 : vector<1000x128xf32>
    %get3A_90 = arith.constant 0 : index
    %get3A_91 = arith.constant 0 : index
    %get3A_92 = vector.load %arg13[%get3A_90, %get3A_91] : memref<1x128xf32, #tpu.memory_space<vmem>>, vector<1x128xf32>
    %mul3A_93 = vector.broadcast %get3A_92 : vector<1x128xf32> to vector<1000x128xf32>
    %mul3A_94 = arith.mulf %mul3A_89, %mul3A_93 : vector<1000x128xf32>
    %get3A_95 = arith.constant 0 : index
    %get3A_96 = arith.constant 0 : index
    %get3A_97 = vector.load %arg14[%get3A_95, %get3A_96] : memref<1x128xf32, #tpu.memory_space<vmem>>, vector<1x128xf32>
    %add3A_98 = vector.broadcast %get3A_97 : vector<1x128xf32> to vector<1000x128xf32>
    %add3A_99 = arith.addf %mul3A_94, %add3A_98 : vector<1000x128xf32>
    %swap3A = arith.constant 0 : index
    %swap3A_100 = arith.constant 0 : index
    %swap3A_101 = vector.load %arg15[%swap3A, %swap3A_100] : memref<1000x128xf32, #tpu.memory_space<vmem>>, vector<1000x128xf32>
    tpu.vector_store %arg15[%swap3A, %swap3A_100], %add3A_99 {strides = array<i32>} : memref<1000x128xf32, #tpu.memory_space<vmem>>, vector<1000x128xf32>,
    return
  }
  func.func @transform_0(%arg0: i32) -> (i32, i32) {
    %c0_i32 = arith.constant 0 : i32
    %c0_i32_0 = arith.constant 0 : i32
    return %arg0, %c0_i32 : i32, i32
  }
  func.func @transform_1(%arg0: i32) -> (i32, i32, i32) {
    %c0_i32 = arith.constant 0 : i32
    %c0_i32_0 = arith.constant 0 : i32
    %c0_i32_1 = arith.constant 0 : i32
    return %c0_i32, %arg0, %c0_i32_0 : i32, i32, i32
  }
  func.func @transform_2(%arg0: i32) -> (i32, i32) {
    %c0_i32 = arith.constant 0 : i32
    %c0_i32_0 = arith.constant 0 : i32
    return %arg0, %c0_i32 : i32, i32
  }
  func.func @transform_3(%arg0: i32) -> (i32, i32) {
    %c0_i32 = arith.constant 0 : i32
    %c0_i32_0 = arith.constant 0 : i32
    return %arg0, %c0_i32 : i32, i32
  }
  func.func @transform_4(%arg0: i32) -> (i32, i32) {
    %c0_i32 = arith.constant 0 : i32
    %c0_i32_0 = arith.constant 0 : i32
    %c0_i32_1 = arith.constant 0 : i32
    return %c0_i32, %c0_i32_0 : i32, i32
  }
  func.func @transform_5(%arg0: i32) -> (i32, i32) {
    %c0_i32 = arith.constant 0 : i32
    %c0_i32_0 = arith.constant 0 : i32
    %c0_i32_1 = arith.constant 0 : i32
    return %c0_i32, %c0_i32_0 : i32, i32
  }
  func.func @transform_6(%arg0: i32) -> (i32, i32) {
    %c0_i32 = arith.constant 0 : i32
    %c0_i32_0 = arith.constant 0 : i32
    %c0_i32_1 = arith.constant 0 : i32
    return %c0_i32, %c0_i32_0 : i32, i32
  }
  func.func @transform_7(%arg0: i32) -> (i32, i32) {
    %c0_i32 = arith.constant 0 : i32
    %c0_i32_0 = arith.constant 0 : i32
    %c0_i32_1 = arith.constant 0 : i32
    return %c0_i32, %c0_i32_0 : i32, i32
  }
  func.func @transform_8(%arg0: i32) -> (i32, i32) {
    %c0_i32 = arith.constant 0 : i32
    %c0_i32_0 = arith.constant 0 : i32
    %c0_i32_1 = arith.constant 0 : i32
    return %c0_i32, %c0_i32_0 : i32, i32
  }
  func.func @transform_9(%arg0: i32) -> (i32, i32) {
    %c0_i32 = arith.constant 0 : i32
    %c0_i32_0 = arith.constant 0 : i32
    %c0_i32_1 = arith.constant 0 : i32
    return %c0_i32, %c0_i32_0 : i32, i32
  }
  func.func @transform_10(%arg0: i32) -> (i32, i32) {
    %c0_i32 = arith.constant 0 : i32
    %c0_i32_0 = arith.constant 0 : i32
    %c0_i32_1 = arith.constant 0 : i32
    return %c0_i32, %c0_i32_0 : i32, i32
  }
  func.func @transform_11(%arg0: i32) -> (i32, i32) {
    %c0_i32 = arith.constant 0 : i32
    %c0_i32_0 = arith.constant 0 : i32
    %c0_i32_1 = arith.constant 0 : i32
    return %c0_i32, %c0_i32_0 : i32, i32
  }
  func.func @transform_12(%arg0: i32) -> (i32, i32) {
    %c0_i32 = arith.constant 0 : i32
    %c0_i32_0 = arith.constant 0 : i32
    %c0_i32_1 = arith.constant 0 : i32
    return %c0_i32, %c0_i32_0 : i32, i32
  }
  func.func @transform_13(%arg0: i32) -> (i32, i32) {
    %c0_i32 = arith.constant 0 : i32
    %c0_i32_0 = arith.constant 0 : i32
    %c0_i32_1 = arith.constant 0 : i32
    return %c0_i32, %c0_i32_0 : i32, i32
  }
  func.func @transform_14(%arg0: i32) -> (i32, i32) {
    %c0_i32 = arith.constant 0 : i32
    %c0_i32_0 = arith.constant 0 : i32
    return %arg0, %c0_i32 : i32, i32
  }
}

</mosaic_0001>

<sc_bundles>
// kernel: kernel.6.cloned.1.call-start
scs
__scs_entry_jumppad:
0x0: {  	(pc) =	sbr.rel $0x88, $3  }
0x1: {  	(tag) =	ssettag $0x0;
	lr =	simm.s32 $0x1  }
0x2: {  	[smem:$0x3F95] =	sst lr;
	_ =	strace $0xD0000000  }
0x3: {  	_ = 	snop  }
0x4: {  	_ = 	snop  }
0x5: {  	_ = 	snop  }
0x6: {  	_ = 	snop  }
0x7: {  	_ = 	snop  }
__scs_overlays_trampoline_lowered:
0x8: {  	[smem:$0x3FA4] =	sst s0  }
0x9: {  	[smem:$0x3FA5] =	sst s1  }
0xa: {  	[smem:$0x3FA6] =	sst s2  }
0xb: {  	[smem:$0x3FA7] =	sst s3  }
0xc: {  	[smem:$0x3FA8] =	sst s4  }
0xd: {  	[smem:$0x3FA9] =	sst s5  }
0xe: {  	[smem:$0x3FAA] =	sst s6  }
0xf: {  	[smem:$0x3FAB] =	sst s7  }
0x10: {  	[smem:$0x3FAC] =	sst s8  }
0x11: {  	[smem:$0x3FAD] =	sst s9;
	s0 =	simm.s32 @!p0 $0x0  }
0x12: {  	s1 =	sld [smem:$0x3F93];
	s0 =	simm.s32 @p0 $0x1  }
0x13: {  	[smem:$0x3FAE] =	sst s0;
	s0 =	simm.s32 @!p1 $0x0  }
0x14: {  	s2 =	sld [smem:$0x3F92];
	s0 =	simm.s32 @p1 $0x1  }
0x15: {  	[smem:$0x3FAF] =	sst s0;
	s0 =	simm.s32 @!p2 $0x0  }
0x16: {  	s3 =	sld [smem:$0x3FDB];
	s0 =	simm.s32 @p2 $0x1  }
0x17: {  	s4 =	simm.s32 $0x1BF5;
	[smem:$0x3FB1] =	sst s0  }
0x18: {  	s0 =	sld [smem:$0x3F94];
	_ =	swait.ge [sflag:s4], $0x0  }
0x19: {  	s7 =	sld [smem:$0x3F95]  }
0x1a: {  	s8 =	sadd.s32 $0xFFFFE003, lr  }
0x1b: {  	s9 =	sadd.s32 $0xFFFFFEF7, lr;
	s5 =	simm.s32 $0xFFFFFFFF;
	p2 =	slt.u32 s8, $0xFFFFF086  }
0x1c: {  	p1 =	slt.u32 s9, $0xF7A;
	s5 =	simm.s32 @!p2 $0x0  }
0x1d: {  	s5 =	simm.s32 @p1 $0x1;
	p0 =	seq.s32 s7, s2  }
0x1e: {  	s7 =	smul.u32 @!p0 $0xF7A, s2;
	p2 =	seq.s32 @!p0 s5, $0x0  }
0x1f: {  	s9 =	smul.u32 $0xF7A, s1;
	s8 =	simm.s32 @!p0 $0x1BF5;
	p2 =	por !p2, p0  }
0x20: {  	[sflag:s8] =	ssyncset.s32 @!p0 $0xFFFFF086;
	s6 =	sadd.s32 @!p0 s3, s7;
	s7 =	simm.s32 @!p0 $0x108  }
0x21: {  	s3 =	sadd.s32 s3, s9;
	s6 =	sadd.s32 @!p0 $0x88, s6;
	s7 =	simm.s32 @p2 $0x1082  }
0x22: {  	[simem:s7], [sflag:s8] =	dma.local @!p0 [hbm:s6], $0xF7A  }
0x23: {  	s9 =	sor.u32 $0xD0000000, s2;
	s6 =	simm.s32 $0x108;
	_ =	swait.ge @!p0 [sflag:s8], $0x0  }
0x24: {  	s3 =	sadd.s32 $0x88, s3;
	s6 =	simm.s32 @!p1 $0x1082;
	[sflag:s4] =	ssyncset.s32 $0xFFFFF086  }
0x25: {  	[simem:s6], [sflag:s4] =	dma.local [hbm:s3], $0xF7A  }
0x26: {  	[smem:$0x3F95] =	sst s1;
	(tag) =	ssettag s2;
	_ =	strace s9  }
0x27: {  	s1 =	sld [smem:$0x3FA5]  }
0x28: {  	s2 =	sld [smem:$0x3FA6]  }
0x29: {  	s4 =	sld [smem:$0x3FA8]  }
0x2a: {  	p0 =	seq.s32 s5, $0x0;
	s5 =	sld [smem:$0x3FA9]  }
0x2b: {  	s6 =	sld [smem:$0x3FAA]  }
0x2c: {  	s7 =	sld [smem:$0x3FAB]  }
0x2d: {  	s3 =	simm.s32 $0x108;
	s8 =	sld [smem:$0x3FAC]  }
0x2e: {  	s3 =	simm.s32 @!p0 $0x1082;
	s9 =	sld [smem:$0x3FAD]  }
0x2f: {  	lr =	sadd.s32 s0, s3;
	s0 =	sld [smem:$0x3FA4]  }
0x30: {  	s3 =	sld [smem:$0x3FA7]  }
0x31: {  	[smem:$0x3FB0] =	sst s10  }
0x32: {  	s10 =	sld [smem:$0x3FAE];
	_ =	sdelay $0x3  }
0x33: {  	p0 =	seq.s32 s10, $0x1;
	s10 =	sld [smem:$0x3FB0];
	_ =	sdelay $0x3  }
0x34: {  	[smem:$0x3FB0] =	sst s10  }
0x35: {  	s10 =	sld [smem:$0x3FAF];
	_ =	sdelay $0x3  }
0x36: {  	p1 =	seq.s32 s10, $0x1;
	s10 =	sld [smem:$0x3FB0];
	_ =	sdelay $0x3  }
0x37: {  	[smem:$0x3FB0] =	sst s10  }
0x38: {  	s10 =	sld [smem:$0x3FB1]  }
0x39: {  	_ = 	snop;
	(pc) =	sbr.ind lr, $3  }
0x3a: {  	_ = 	snop  }
0x3b: {  	_ = 	snop  }
0x3c: {  	p2 =	seq.s32 s10, $0x1;
	s10 =	sld [smem:$0x3FB0]  }
0x3d: {  	_ =	shalt  }
0x3e: {  	_ =	shalt  }
0x3f: {  	_ =	shalt  }
0x40: {  	_ =	shalt  }
0x41: {  	_ =	shalt  }
0x42: {  	_ =	shalt  }
0x43: {  	_ =	shalt  }
0x44: {  	_ =	shalt  }
0x45: {  	_ =	shalt  }
0x46: {  	_ =	shalt  }
0x47: {  	_ =	shalt  }
0x48: {  	_ =	shalt  }
0x49: {  	_ =	shalt  }
0x4a: {  	_ =	shalt  }
0x4b: {  	_ =	shalt  }
0x4c: {  	_ =	shalt  }
0x4d: {  	_ =	shalt  }
0x4e: {  	_ =	shalt  }
0x4f: {  	_ =	shalt  }
0x50: {  	_ =	shalt  }
0x51: {  	_ =	shalt  }
0x52: {  	_ =	shalt  }
0x53: {  	_ =	shalt  }
0x54: {  	_ =	shalt  }
0x55: {  	_ =	shalt  }
0x56: {  	_ =	shalt  }
0x57: {  	_ =	shalt  }
0x58: {  	_ =	shalt  }
0x59: {  	_ =	shalt  }
0x5a: {  	_ =	shalt  }
0x5b: {  	_ =	shalt  }
0x5c: {  	_ =	shalt  }
0x5d: {  	_ =	shalt  }
0x5e: {  	_ =	shalt  }
0x5f: {  	_ =	shalt  }
0x60: {  	_ =	shalt  }
0x61: {  	_ =	shalt  }
0x62: {  	_ =	shalt  }
0x63: {  	_ =	shalt  }
0x64: {  	_ =	shalt  }
0x65: {  	_ =	shalt  }
0x66: {  	_ =	shalt  }
0x67: {  	_ =	shalt  }
0x68: {  	_ =	shalt  }
0x69: {  	_ =	shalt  }
0x6a: {  	_ =	shalt  }
0x6b: {  	_ =	shalt  }
0x6c: {  	_ =	shalt  }
0x6d: {  	_ =	shalt  }
0x6e: {  	_ =	shalt  }
0x6f: {  	_ =	shalt  }
0x70: {  	_ =	shalt  }
0x71: {  	_ =	shalt  }
0x72: {  	_ =	shalt  }
0x73: {  	_ =	shalt  }
0x74: {  	_ =	shalt  }
0x75: {  	_ =	shalt  }
0x76: {  	_ =	shalt  }
0x77: {  	_ =	shalt  }
0x78: {  	_ =	shalt  }
0x79: {  	_ =	shalt  }
0x7a: {  	_ =	shalt  }
0x7b: {  	_ =	shalt  }
0x7c: {  	_ =	shalt  }
0x7d: {  	_ =	shalt  }
0x7e: {  	_ =	shalt  }
0x7f: {  	_ =	shalt  }
0x80: {  	_ =	shalt  }
0x81: {  	_ =	shalt  }
0x82: {  	_ =	shalt  }
0x83: {  	_ =	shalt  }
0x84: {  	_ =	shalt  }
0x85: {  	_ =	shalt  }
0x86: {  	_ =	shalt  }
0x87: {  	_ =	shalt  }
.Lfunc_end0:
.L_simem_size_0:
called_computation_lowered:
.L_overlay_start_0:
0x88: {  	s2 =	sld [smem:$0x3FD9]  }
0x89: {  	s3 =	sld [smem:$0x3FFE];
	_ =	sdelay $0x1  }
0x8a: {  	s1 =	srdreg.scid  }
0x8b: {  	s0 =	sand.u32 $0x1, s1  }
0x8c: {  	s17 =	sshll.u32 s0, $0xA;
	s2 =	sadd.s32 s3, s2  }
0x8d: {  	s2 =	sadd.s32 s2, s17  }
0x8e: {  	[smem:$0x3FBC] =	sst s2  }
0x8f: {  	_ = 	snop  }
0x90: {  	s2 =	sld [smem:$0x3FD0];
	(tm) =	ssettm $0x1  }
0x91: {  	s18 =	sld [smem:$0x3FFB];
	_ =	sdelay $0x3  }
0x92: {  	_ =	strace s18  }
0x93: {  	s3 =	sld [smem:$0x3FFC];
	_ =	sdelay $0x3  }
0x94: {  	_ =	strace s3  }
0x95: {  	s3 =	sld [smem:$0x3FFD];
	_ =	sdelay $0x3  }
0x96: {  	_ =	strace s3  }
0x97: {  	_ =	strace $0x8FFFFFFF  }
0x98: {  	s19 =	sld [smem:$0x3FDB];
	_ =	sdelay $0x1  }
0x99: {  	s4 =	simm.s32 $_scs_section_size  }
0x9a: {  	s5 =	simm.s32 $_size__tile_overlayer_lowered;
	s6 =	simm.s32 $_tile_overlayer_lowered  }
0x9b: {  	s22 =	simm.s32 $0x1BFF;
	s21 =	sshll.u32 s6, $0x1;
	s3 =	sadd.s32 s4, s19  }
0x9c: {  	s7 =	simm.s32 $0x0;
	s20 =	sshll.u32 s5, $0x1;
	s5 =	sadd.s32 s21, s3  }
0x9d: {  	[timem:s7], [sflag:s22] =	dma.local [hbm:s5], s20  }
0x9e: {  	_ =	swait.ge [sflag:s22], s20  }
0x9f: {  	s4 =	ssub.s32 $0x0, s20;
	[sflag:s22] =	ssyncset.done $0x0  }
0xa0: {  	[sflag:s22] =	ssyncadd.s32 s4;
	_ =	sdelay $0x1  }
0xa1: {  	s23 =	simm.s32 $0x1B8B  }
0xa2: {  	_ =	swait.ge [sflag:s23], $0x1  }
0xa3: {  	[sflag:s23] =	ssyncset.done $0x0  }
0xa4: {  	s25 =	simm.s32 $0x1B8E;
	s24 =	sld [smem:$0x3FFE];
	[sflag:s23] =	ssyncadd.s32 $0xFFFFFFFF  }
0xa5: {  	s26 =	simm.s32 $execute0_lowered;
	[smem:$0x3FD2] =	sst s25  }
0xa6: {  	s5 =	sshll.u32 s26, $0x1;
	_ =	strace $0x80000046;
	[dreg:$0x1] =	wrdreg $0xFFFFFFFF  }
0xa7: {  	s28 =	simm.s32 $_size_execute0_lowered;
	s3 =	sadd.s32 s3, s5;
	[dreg:$0x0] =	wrdreg $0x0  }
0xa8: {  	s5 =	sshll.u32 s28, $0x1;
	[dreg:$0x2] =	wrdreg s3  }
0xa9: {  	[dreg:$0x3] =	wrdreg s5  }
0xaa: {  	[dreg:$0x4] =	wrdreg $0xC0  }
0xab: {  	_ =	task [dreg:s7], $0x5FFFF  }
0xac: {  	[dreg:$0x1] =	wrdreg $0xFFFFFFFF  }
0xad: {  	[dreg:$0x0] =	wrdreg $0x60  }
0xae: {  	[dreg:$0x2] =	wrdreg s24  }
0xaf: {  	[dreg:$0x3] =	wrdreg s2  }
0xb0: {  	[dreg:$0x4] =	wrdreg $0x28800  }
0xb1: {  	[dreg:$0x5] =	wrdreg $0x9  }
0xb2: {  	_ =	task.clear_ibuf [dreg:s7], $0x6FFFF;
	_ =	strace $0x90000046  }
0xb3: {  	s29 =	simm.s32 $0x9;
	_ =	strace $0x80000048  }
0xb4: {  	_ =	swait.ge [sflag:s29], $0x1  }
0xb5: {  	[sflag:s29] =	ssyncadd.s32 $0xFFFFFFFF  }
0xb6: {  	_ =	strace $0x90000048  }
0xb7: {  	_ =	sfence  }
0xb8: {  	s30 =	sld [smem:$0x0];
	_ =	sdelay $0x2  }
0xb9: {  	s31 =	sshll.u32 s1, $0xD;
	s1 =	sshrl.u32 s1, $0x2  }
0xba: {  	s3 =	sand.u32 $0x4000, s31;
	s1 =	sadd.s32 s1, s30  }
0xbb: {  	s0 =	sor.u32 s3, s0;
	s1 =	sshll.u32 s1, $0x11  }
0xbc: {  	s0 =	sor.u32 s1, s0  }
0xbd: {  	s0 =	sadd.s32 $0x8F2B, s0  }
0xbe: {  	[sflag:s0] =	ssyncadd.remote.s32 $0x1  }
0xbf: {  	_ =	sfence.sel $0xFFFF  }
0xc0: {  	[dreg:$0x0] =	wrdreg $0xFFFFFFFF;
	(pc) =	sbr.abs _section_cstart, $3  }
0xc1: {  	[dreg:$0x1] =	wrdreg $0xFFFFFFFF  }
0xc2: {  	_ =	task.clear_ibuf [dreg:s7], $0x2FFFF;
	_ =	strace $0x9FFFFFFF  }
0xc3: {  	(tm) =	ssettm $0x7FFFFFFF  }
tec
execute0_lowered:
.L_overlay_start_1:
0x0: {  	(tag) =	ssettag $0x1  }
0x1: {  	s5 =	rddreg [dreg:$0x0]  }
0x2: {  	s8 =	rddreg [dreg:$0x1]  }
0x3: {  	s0 =	srdreg.scid;
	s2 =	rddreg [dreg:$0x2]  }
0x4: {  	s1 =	rddreg [dreg:$0x3];
	s3 =	simm.s32 $0x0;
	s13 =	simm.s32 $0x80  }
0x5: {  	s14 =	simm.s32 $0x1;
	s15 =	simm.s32 $0x20;
	s6 =	sand.u32 $0x1, s0  }
0x6: {  	s16 =	simm.s32 $0x10;
	s0 =	stileid.u32;
	s4 =	smul.u32 $0x28000, s6  }
0x7: {  	s17 =	simm.s32 $0x0;
	[smem:$0x7FF] =	sst s3;
	s7 =	smul.u32 $0x2800, s0  }
0x8: {  	_ =	strace $0x80000047;
	s9 =	smul.u32 $0xA00, s0;
	s10 =	ssub.s32 $0x2, s6  }
0x9: {  	s11 =	smul.u32 $0x500, s0;
	s6 =	sshll.u32 s6, $0x7;
	s12 =	sshrl.u32 s10, $0x1  }
0xa: {  	s30 =	sshll.u32 s0, $0x6;
	s4 =	sadd.s32 s7, s4;
	s10 =	ssub.s32 s10, s12  }
0xb: {  	s9 =	sshrl.u32 s9, $0x2;
	s6 =	sor.u32 s6, s11;
	s11 =	simm.s32 $0x2  }
0xc: {  	s12 =	simm.s32 $0x2800;
	s4 =	sshrl.u32 s4, $0x3;
	s29 =	sadd.s32 s9, s2  }
0xd: {  	s31 =	sshrl.u32 s6, $0x3;
	s6 =	sor.u32 $0x1C02, s30;
	s9 =	smax.u32 s10, $0x1  }
0xe: {  	s28 =	sadd.s32 s4, s5;
	s4 =	sadd.s32 $0x16A00, s5;
	s5 =	sadd.s32 $0x16C00, s5  }
0xf: {  	s8 =	sadd.s32 s8, s31;
	s10 =	sshrl.u32 s29, $0x3;
	s7 =	sadd.s32 $0x2A00, s28  }
.LBB2_1:
0x10: {  	[spmem:s10], [sflag:s6] =	dma.local [hbm:s4], $0x50  }
0x11: {  	_ =	swait.ge [sflag:s11], $0x50  }
0x12: {  	[sflag:s11] =	ssyncset.done $0x0  }
0x13: {  	[sflag:s11] =	ssyncadd.s32 $0xFFFFFFB0  }
0x14: {  	[tilespmem:s12], [sflag:$0x2] =	stream.linear.gather [hbm4b:s5+s3], $0x80, $0x38;
	[tilespmem:$0x2B00] =	vst v63  }
0x15: {  	_ =	swait.ge [sflag:s11], $0x80  }
0x16: {  	[sflag:s11] =	ssyncset.done $0x0  }
0x17: {  	[sflag:s11] =	ssyncadd.s32 $0xFFFFFF80  }
0x18: {  	[tilespmem:s3], [sflag:$0x2] =	stream.linear.gather [hbm4b:s7+s3], $0x2800, $0x38;
	[tilespmem:$0x2B00] =	vst v63  }
0x19: {  	_ =	swait.ge [sflag:s11], $0x2800  }
0x1a: {  	[sflag:s11] =	ssyncset.done $0x0  }
0x1b: {  	[sflag:s11] =	ssyncadd.s32 $0xFFFFD800  }
0x1c: {  	s18 =	simm.s32 $0x0;
	[bflag:$0x0] =	sbarrier.arrive $0xFFFF  }
.LBB2_2:
0x1d: {  	p0 =	sne.s32 s18, $0x9E00  }
.Ltmp0:
0x1e: {  	_ = 	snop;
	(pc) =	sbr.rel @p0 .LBB2_2-.Ltmp0, $3  }
0x1f: {  	_ =	sdelay $0x1  }
0x20: {  	s19 =	sshra.s32 s18, $0x2;
	s18 =	sadd.s32 $0x200, s18  }
0x21: {  	[spmem:s2] =	stream.indirect.scatter.add.f32 [tilespmem:s12], [sflag:$0x1], $0x1, s19, s13, $0xb8;
	[tilespmem:$0x2B00] =	vst v63  }
0x22: {  	_ =	swait.ge [sflag:s14], $0x80  }
0x23: {  	s18 =	simm.s32 $0x4F;
	[sflag:s14] =	ssyncset.done $0x0  }
.LBB2_4:
0x24: {  	p0 =	sne.s32 s18, $0x1;
	s18 =	sadd.s32 $0xFFFFFFFF, s18;
	[sflag:s14] =	ssyncadd.s32 $0xFFFFFF80  }
.Ltmp1:
0x25: {  	(pc) =	sbr.rel @p0 .LBB2_4-.Ltmp1, $3  }
0x26: {  	_ =	sdelay $0x1  }
0x27: {  	_ =	swait.ge [sflag:s14], $0x80  }
0x28: {  	[sflag:s14] =	ssyncset.done $0x0  }
0x29: {  	s17 =	sadd.s32 $0x1, s17  }
0x2a: {  	[sflag:s14] =	ssyncadd.s32 $0xFFFFFF80;
	p0 =	sne.s32 s17, s9  }
.Ltmp2:
0x2b: {  	[bflag:$0x0] =	sbarrier.arrive $0xFFFF;
	(pc) =	sbr.rel @p0 .LBB2_1-.Ltmp2, $4  }
0x2c: {  	[hbm:s8@s15], [sflag:s6] =	dma.strided [spmem:s10@s16], $0x50, s14, $0x10   }
0x2d: {  	_ =	swait.ge [sflag:s11], $0x50  }
0x2e: {  	[sflag:s11] =	ssyncset.done $0x0  }
0x2f: {  	[sflag:s11] =	ssyncadd.s32 $0xFFFFFFB0  }
0x30: {  	_ =	sfence.sel $0x180000  }
0x31: {  	[bflag:$0x0] =	sbarrier.arrive $0xFFFF  }
0x32: {  	p0 =	sne.s32 s0, $0x0;
	_ =	strace $0x90000047  }
0x33: {  	s0 =	sadd.s32 @!p0 $0x100000, s1;
	[bflag:$0x2] =	sbarrier.arrive $0xFFFF  }
0x34: {  	[sflag:s0] =	ssyncadd.tile.s32 @!p0 $0x1;
	_ =	shalt  }
.Lfunc_end2:
_tile_overlayer_lowered:
.L_overlay_start_2:
0x35: {  	(tag) =	ssettag $0x2  }
0x36: {  	s0 =	rddreg [dreg:$0x0];
	s2 =	stileid.u32  }
0x37: {  	s1 =	rddreg [dreg:$0x1];
	p0 =	sne.s32 s2, $0x0  }
0x38: {  	s3 =	rddreg [dreg:$0x2];
	[bflag:$0x3] =	sbarrier.arrive $0xFFFF;
	s2 =	simm.s32 @!p0 $0x1C02  }
0x39: {  	[timem:s3], [sflag:s2] =	dma.local @!p0 [hbm:s0], s1  }
0x3a: {  	s0 =	simm.s32 @!p0 $0x2  }
0x3b: {  	_ =	swait.ge @!p0 [sflag:s0], s1  }
0x3c: {  	s1 =	ssub.s32 @!p0 $0x0, s1;
	[sflag:s0] =	ssyncset.done @!p0 $0x0  }
0x3d: {  	[sflag:s0] =	ssyncadd.s32 @!p0 s1  }
0x3e: {  	[bflag:$0x3] =	sbarrier.arrive $0xFFFF  }
0x3f: {  	_ =	shalt  }

// kernel: kernel.9.cloned.1.call-start
scs
__scs_entry_jumppad:
0x0: {  	(pc) =	sbr.rel $0x88, $3  }
0x1: {  	(tag) =	ssettag $0x0;
	lr =	simm.s32 $0x1  }
0x2: {  	[smem:$0x3F95] =	sst lr;
	_ =	strace $0xD0000000  }
0x3: {  	_ = 	snop  }
0x4: {  	_ = 	snop  }
0x5: {  	_ = 	snop  }
0x6: {  	_ = 	snop  }
0x7: {  	_ = 	snop  }
__scs_overlays_trampoline_lowered:
0x8: {  	[smem:$0x3FA4] =	sst s0  }
0x9: {  	[smem:$0x3FA5] =	sst s1  }
0xa: {  	[smem:$0x3FA6] =	sst s2  }
0xb: {  	[smem:$0x3FA7] =	sst s3  }
0xc: {  	[smem:$0x3FA8] =	sst s4  }
0xd: {  	[smem:$0x3FA9] =	sst s5  }
0xe: {  	[smem:$0x3FAA] =	sst s6  }
0xf: {  	[smem:$0x3FAB] =	sst s7  }
0x10: {  	[smem:$0x3FAC] =	sst s8  }
0x11: {  	[smem:$0x3FAD] =	sst s9;
	s0 =	simm.s32 @!p0 $0x0  }
0x12: {  	s1 =	sld [smem:$0x3F93];
	s0 =	simm.s32 @p0 $0x1  }
0x13: {  	[smem:$0x3FAE] =	sst s0;
	s0 =	simm.s32 @!p1 $0x0  }
0x14: {  	s2 =	sld [smem:$0x3F92];
	s0 =	simm.s32 @p1 $0x1  }
0x15: {  	[smem:$0x3FAF] =	sst s0;
	s0 =	simm.s32 @!p2 $0x0  }
0x16: {  	s3 =	sld [smem:$0x3FDB];
	s0 =	simm.s32 @p2 $0x1  }
0x17: {  	s4 =	simm.s32 $0x1BF5;
	[smem:$0x3FB1] =	sst s0  }
0x18: {  	s0 =	sld [smem:$0x3F94];
	_ =	swait.ge [sflag:s4], $0x0  }
0x19: {  	s7 =	sld [smem:$0x3F95]  }
0x1a: {  	s8 =	sadd.s32 $0xFFFFE003, lr  }
0x1b: {  	s9 =	sadd.s32 $0xFFFFFEF7, lr;
	s5 =	simm.s32 $0xFFFFFFFF;
	p2 =	slt.u32 s8, $0xFFFFF086  }
0x1c: {  	p1 =	slt.u32 s9, $0xF7A;
	s5 =	simm.s32 @!p2 $0x0  }
0x1d: {  	s5 =	simm.s32 @p1 $0x1;
	p0 =	seq.s32 s7, s2  }
0x1e: {  	s7 =	smul.u32 @!p0 $0xF7A, s2;
	p2 =	seq.s32 @!p0 s5, $0x0  }
0x1f: {  	s9 =	smul.u32 $0xF7A, s1;
	s8 =	simm.s32 @!p0 $0x1BF5;
	p2 =	por !p2, p0  }
0x20: {  	[sflag:s8] =	ssyncset.s32 @!p0 $0xFFFFF086;
	s6 =	sadd.s32 @!p0 s3, s7;
	s7 =	simm.s32 @!p0 $0x108  }
0x21: {  	s3 =	sadd.s32 s3, s9;
	s6 =	sadd.s32 @!p0 $0x88, s6;
	s7 =	simm.s32 @p2 $0x1082  }
0x22: {  	[simem:s7], [sflag:s8] =	dma.local @!p0 [hbm:s6], $0xF7A  }
0x23: {  	s9 =	sor.u32 $0xD0000000, s2;
	s6 =	simm.s32 $0x108;
	_ =	swait.ge @!p0 [sflag:s8], $0x0  }
0x24: {  	s3 =	sadd.s32 $0x88, s3;
	s6 =	simm.s32 @!p1 $0x1082;
	[sflag:s4] =	ssyncset.s32 $0xFFFFF086  }
0x25: {  	[simem:s6], [sflag:s4] =	dma.local [hbm:s3], $0xF7A  }
0x26: {  	[smem:$0x3F95] =	sst s1;
	(tag) =	ssettag s2;
	_ =	strace s9  }
0x27: {  	s1 =	sld [smem:$0x3FA5]  }
0x28: {  	s2 =	sld [smem:$0x3FA6]  }
0x29: {  	s4 =	sld [smem:$0x3FA8]  }
0x2a: {  	p0 =	seq.s32 s5, $0x0;
	s5 =	sld [smem:$0x3FA9]  }
0x2b: {  	s6 =	sld [smem:$0x3FAA]  }
0x2c: {  	s7 =	sld [smem:$0x3FAB]  }
0x2d: {  	s3 =	simm.s32 $0x108;
	s8 =	sld [smem:$0x3FAC]  }
0x2e: {  	s3 =	simm.s32 @!p0 $0x1082;
	s9 =	sld [smem:$0x3FAD]  }
0x2f: {  	lr =	sadd.s32 s0, s3;
	s0 =	sld [smem:$0x3FA4]  }
0x30: {  	s3 =	sld [smem:$0x3FA7]  }
0x31: {  	[smem:$0x3FB0] =	sst s10  }
0x32: {  	s10 =	sld [smem:$0x3FAE];
	_ =	sdelay $0x3  }
0x33: {  	p0 =	seq.s32 s10, $0x1;
	s10 =	sld [smem:$0x3FB0];
	_ =	sdelay $0x3  }
0x34: {  	[smem:$0x3FB0] =	sst s10  }
0x35: {  	s10 =	sld [smem:$0x3FAF];
	_ =	sdelay $0x3  }
0x36: {  	p1 =	seq.s32 s10, $0x1;
	s10 =	sld [smem:$0x3FB0];
	_ =	sdelay $0x3  }
0x37: {  	[smem:$0x3FB0] =	sst s10  }
0x38: {  	s10 =	sld [smem:$0x3FB1]  }
0x39: {  	_ = 	snop;
	(pc) =	sbr.ind lr, $3  }
0x3a: {  	_ = 	snop  }
0x3b: {  	_ = 	snop  }
0x3c: {  	p2 =	seq.s32 s10, $0x1;
	s10 =	sld [smem:$0x3FB0]  }
0x3d: {  	_ =	shalt  }
0x3e: {  	_ =	shalt  }
0x3f: {  	_ =	shalt  }
0x40: {  	_ =	shalt  }
0x41: {  	_ =	shalt  }
0x42: {  	_ =	shalt  }
0x43: {  	_ =	shalt  }
0x44: {  	_ =	shalt  }
0x45: {  	_ =	shalt  }
0x46: {  	_ =	shalt  }
0x47: {  	_ =	shalt  }
0x48: {  	_ =	shalt  }
0x49: {  	_ =	shalt  }
0x4a: {  	_ =	shalt  }
0x4b: {  	_ =	shalt  }
0x4c: {  	_ =	shalt  }
0x4d: {  	_ =	shalt  }
0x4e: {  	_ =	shalt  }
0x4f: {  	_ =	shalt  }
0x50: {  	_ =	shalt  }
0x51: {  	_ =	shalt  }
0x52: {  	_ =	shalt  }
0x53: {  	_ =	shalt  }
0x54: {  	_ =	shalt  }
0x55: {  	_ =	shalt  }
0x56: {  	_ =	shalt  }
0x57: {  	_ =	shalt  }
0x58: {  	_ =	shalt  }
0x59: {  	_ =	shalt  }
0x5a: {  	_ =	shalt  }
0x5b: {  	_ =	shalt  }
0x5c: {  	_ =	shalt  }
0x5d: {  	_ =	shalt  }
0x5e: {  	_ =	shalt  }
0x5f: {  	_ =	shalt  }
0x60: {  	_ =	shalt  }
0x61: {  	_ =	shalt  }
0x62: {  	_ =	shalt  }
0x63: {  	_ =	shalt  }
0x64: {  	_ =	shalt  }
0x65: {  	_ =	shalt  }
0x66: {  	_ =	shalt  }
0x67: {  	_ =	shalt  }
0x68: {  	_ =	shalt  }
0x69: {  	_ =	shalt  }
0x6a: {  	_ =	shalt  }
0x6b: {  	_ =	shalt  }
0x6c: {  	_ =	shalt  }
0x6d: {  	_ =	shalt  }
0x6e: {  	_ =	shalt  }
0x6f: {  	_ =	shalt  }
0x70: {  	_ =	shalt  }
0x71: {  	_ =	shalt  }
0x72: {  	_ =	shalt  }
0x73: {  	_ =	shalt  }
0x74: {  	_ =	shalt  }
0x75: {  	_ =	shalt  }
0x76: {  	_ =	shalt  }
0x77: {  	_ =	shalt  }
0x78: {  	_ =	shalt  }
0x79: {  	_ =	shalt  }
0x7a: {  	_ =	shalt  }
0x7b: {  	_ =	shalt  }
0x7c: {  	_ =	shalt  }
0x7d: {  	_ =	shalt  }
0x7e: {  	_ =	shalt  }
0x7f: {  	_ =	shalt  }
0x80: {  	_ =	shalt  }
0x81: {  	_ =	shalt  }
0x82: {  	_ =	shalt  }
0x83: {  	_ =	shalt  }
0x84: {  	_ =	shalt  }
0x85: {  	_ =	shalt  }
0x86: {  	_ =	shalt  }
0x87: {  	_ =	shalt  }
.Lfunc_end0:
.L_simem_size_0:
called_computation.1_lowered:
.L_overlay_start_0:
0x88: {  	s2 =	sld [smem:$0x3FD9]  }
0x89: {  	s3 =	sld [smem:$0x3FFE];
	_ =	sdelay $0x1  }
0x8a: {  	s1 =	srdreg.scid  }
0x8b: {  	s0 =	sand.u32 $0x1, s1  }
0x8c: {  	s17 =	sshll.u32 s0, $0xA;
	s2 =	sadd.s32 s3, s2  }
0x8d: {  	s2 =	sadd.s32 s2, s17  }
0x8e: {  	[smem:$0x3FBC] =	sst s2  }
0x8f: {  	_ = 	snop  }
0x90: {  	s2 =	sld [smem:$0x3FD0];
	(tm) =	ssettm $0x1  }
0x91: {  	s18 =	sld [smem:$0x3FFB];
	_ =	sdelay $0x3  }
0x92: {  	_ =	strace s18  }
0x93: {  	s3 =	sld [smem:$0x3FFC];
	_ =	sdelay $0x3  }
0x94: {  	_ =	strace s3  }
0x95: {  	s3 =	sld [smem:$0x3FFD];
	_ =	sdelay $0x3  }
0x96: {  	_ =	strace s3  }
0x97: {  	_ =	strace $0x8FFFFFFF  }
0x98: {  	s19 =	sld [smem:$0x3FDB];
	_ =	sdelay $0x1  }
0x99: {  	s4 =	simm.s32 $_scs_section_size  }
0x9a: {  	s5 =	simm.s32 $_size__tile_overlayer_lowered;
	s6 =	simm.s32 $_tile_overlayer_lowered  }
0x9b: {  	s22 =	simm.s32 $0x1BFF;
	s21 =	sshll.u32 s6, $0x1;
	s3 =	sadd.s32 s4, s19  }
0x9c: {  	s7 =	simm.s32 $0x0;
	s20 =	sshll.u32 s5, $0x1;
	s5 =	sadd.s32 s21, s3  }
0x9d: {  	[timem:s7], [sflag:s22] =	dma.local [hbm:s5], s20  }
0x9e: {  	_ =	swait.ge [sflag:s22], s20  }
0x9f: {  	s4 =	ssub.s32 $0x0, s20;
	[sflag:s22] =	ssyncset.done $0x0  }
0xa0: {  	[sflag:s22] =	ssyncadd.s32 s4;
	_ =	sdelay $0x1  }
0xa1: {  	s23 =	simm.s32 $0x1B8B  }
0xa2: {  	_ =	swait.ge [sflag:s23], $0x1  }
0xa3: {  	[sflag:s23] =	ssyncset.done $0x0  }
0xa4: {  	s25 =	simm.s32 $0x1B8E;
	s24 =	sld [smem:$0x3FFE];
	[sflag:s23] =	ssyncadd.s32 $0xFFFFFFFF  }
0xa5: {  	s26 =	simm.s32 $execute0_lowered;
	[smem:$0x3FD2] =	sst s25  }
0xa6: {  	s5 =	sshll.u32 s26, $0x1;
	_ =	strace $0x80000049;
	[dreg:$0x1] =	wrdreg $0xFFFFFFFF  }
0xa7: {  	s28 =	simm.s32 $_size_execute0_lowered;
	s3 =	sadd.s32 s3, s5;
	[dreg:$0x0] =	wrdreg $0x0  }
0xa8: {  	s5 =	sshll.u32 s28, $0x1;
	[dreg:$0x2] =	wrdreg s3  }
0xa9: {  	[dreg:$0x3] =	wrdreg s5  }
0xaa: {  	[dreg:$0x4] =	wrdreg $0xC0  }
0xab: {  	_ =	task [dreg:s7], $0x5FFFF  }
0xac: {  	[dreg:$0x1] =	wrdreg $0xFFFFFFFF  }
0xad: {  	[dreg:$0x0] =	wrdreg $0x60  }
0xae: {  	[dreg:$0x2] =	wrdreg s2  }
0xaf: {  	[dreg:$0x3] =	wrdreg s24  }
0xb0: {  	[dreg:$0x4] =	wrdreg $0xA8000  }
0xb1: {  	[dreg:$0x5] =	wrdreg $0x9  }
0xb2: {  	_ =	task.clear_ibuf [dreg:s7], $0x6FFFF;
	_ =	strace $0x90000049  }
0xb3: {  	s29 =	simm.s32 $0x9;
	_ =	strace $0x8000004B  }
0xb4: {  	_ =	swait.ge [sflag:s29], $0x1  }
0xb5: {  	[sflag:s29] =	ssyncadd.s32 $0xFFFFFFFF  }
0xb6: {  	_ =	strace $0x9000004B  }
0xb7: {  	_ =	sfence  }
0xb8: {  	s30 =	sld [smem:$0x0];
	_ =	sdelay $0x2  }
0xb9: {  	s31 =	sshll.u32 s1, $0xD;
	s1 =	sshrl.u32 s1, $0x2  }
0xba: {  	s3 =	sand.u32 $0x4000, s31;
	s1 =	sadd.s32 s1, s30  }
0xbb: {  	s0 =	sor.u32 s3, s0;
	s1 =	sshll.u32 s1, $0x11  }
0xbc: {  	s0 =	sor.u32 s1, s0  }
0xbd: {  	s0 =	sadd.s32 $0x8F2B, s0  }
0xbe: {  	[sflag:s0] =	ssyncadd.remote.s32 $0x1  }
0xbf: {  	_ =	sfence.sel $0xFFFF  }
0xc0: {  	[dreg:$0x0] =	wrdreg $0xFFFFFFFF;
	(pc) =	sbr.abs _section_cstart, $3  }
0xc1: {  	[dreg:$0x1] =	wrdreg $0xFFFFFFFF  }
0xc2: {  	_ =	task.clear_ibuf [dreg:s7], $0x2FFFF;
	_ =	strace $0x9FFFFFFF  }
0xc3: {  	(tm) =	ssettm $0x7FFFFFFF  }
tec
execute0_lowered:
.L_overlay_start_1:
0x0: {  	(tag) =	ssettag $0x1  }
0x1: {  	s1 =	rddreg [dreg:$0x0]  }
0x2: {  	s6 =	rddreg [dreg:$0x1]  }
0x3: {  	s2 =	rddreg [dreg:$0x2]  }
0x4: {  	s0 =	rddreg [dreg:$0x3];
	s4 =	simm.s32 $0x0;
	s3 =	srdreg.scid  }
0x5: {  	s16 =	simm.s32 $0x80;
	s17 =	simm.s32 $0x2800;
	s18 =	simm.s32 $0x6800  }
0x6: {  	s19 =	simm.s32 $0x1;
	s20 =	simm.s32 $0x2;
	s5 =	sand.u32 $0x1, s3  }
0x7: {  	s21 =	simm.s32 $0x2700;
	s3 =	stileid.u32;
	s7 =	smul.u32 $0x140000, s5  }
0x8: {  	s22 =	simm.s32 $0x2780;
	s23 =	simm.s32 $0x0;
	s8 =	smul.u32 $0x14000, s3  }
0x9: {  	[smem:$0x7FF] =	sst s4;
	s9 =	sadd.s32 $0xCA00, s6;
	s11 =	smul.u32 $0x50000, s3  }
0xa: {  	s10 =	sadd.s32 $0x2A00, s6;
	_ =	strace $0x8000004A;
	s12 =	smul.u32 $0x28000, s5  }
0xb: {  	s25 =	ssub.s32 $0x2, s5;
	s14 =	smul.u32 $0x2800, s3;
	s5 =	sadd.s32 $0x16A00, s6  }
0xc: {  	s28 =	sshll.u32 s3, $0x6;
	s13 =	sshrl.u32 s25, $0x1;
	s7 =	sadd.s32 s8, s7  }
0xd: {  	s13 =	ssub.s32 s25, s13;
	s26 =	sshrl.u32 s11, $0x2;
	s29 =	sadd.s32 s14, s12  }
0xe: {  	s14 =	simm.s32 $0x3;
	s7 =	sshrl.u32 s7, $0x3;
	s30 =	sadd.s32 s26, s2  }
0xf: {  	s31 =	sshrl.u32 s29, $0x3;
	s12 =	smax.u32 s13, $0x1;
	s15 =	sadd.s32 s7, s6  }
0x10: {  	s6 =	sor.u32 $0x1C03, s28;
	s7 =	sadd.s32 s9, s31;
	s11 =	sadd.s32 $0x280, s31  }
0x11: {  	s8 =	sadd.s32 s10, s31;
	s13 =	sshrl.u32 s30, $0x3;
	s9 =	sadd.s32 s9, s11  }
0x12: {  	s10 =	sadd.s32 s10, s11;
	s11 =	sadd.s32 $0x19200, s15;
	s15 =	simm.s32 $0x1400  }
.LBB2_1:
0x13: {  	[spmem:s13], [sflag:s6] =	dma.local [hbm:s5], $0x2800  }
0x14: {  	_ =	swait.ge [sflag:s14], $0x2800  }
0x15: {  	[sflag:s14] =	ssyncset.done $0x0  }
0x16: {  	[sflag:s14] =	ssyncadd.s32 $0xFFFFD800  }
0x17: {  	[bflag:$0x0] =	sbarrier.arrive $0xFFFF  }
0x18: {  	[tilespmem:s4], [sflag:$0x3] =	stream.linear.gather [hbm4b:s7+s4], $0x1400, $0x38;
	[tilespmem:$0x1E800] =	vst v63  }
0x19: {  	_ =	swait.ge [sflag:s14], $0x1400  }
0x1a: {  	[sflag:s14] =	ssyncset.done $0x0  }
0x1b: {  	[sflag:s14] =	ssyncadd.s32 $0xFFFFEC00  }
0x1c: {  	[tilespmem:s15], [sflag:$0x3] =	stream.linear.gather [hbm4b:s8+s4], $0x1400, $0x38;
	[tilespmem:$0x1E800] =	vst v63  }
0x1d: {  	_ =	swait.ge [sflag:s14], $0x1400  }
0x1e: {  	[sflag:s14] =	ssyncset.done $0x0  }
0x1f: {  	[sflag:s14] =	ssyncadd.s32 $0xFFFFEC00  }
0x20: {  	[tilespmem:s17], [sflag:$0x1] =	stream.indirect.gather [hbm4b:s1+s16], $0x80, s4, s16, $0xb8;
	[tilespmem:$0x1E800] =	vst v63  }
0x21: {  	_ = 	snop  }
0x22: {  	[tilespmem:s18], [sflag:$0x2] =	stream.indirect.gather [hbm4b:s1+s16], $0x80, s16, s16, $0xb8;
	[tilespmem:$0x1E800] =	vst v63  }
0x23: {  	_ =	swait.ge [sflag:s19], $0x4000  }
0x24: {  	[sflag:s19] =	ssyncset.done $0x0  }
0x25: {  	s24 =	simm.s32 $0x1400;
	[sflag:s19] =	ssyncadd.s32 $0xFFFFC000  }
0x26: {  	[spmem:s2] =	stream.indirect.scatter.add.f32 [tilespmem:s17], [sflag:$0x3], $0x80, s24, s16, $0xb8;
	[tilespmem:$0x1E800] =	vst v63  }
0x27: {  	_ =	swait.ge [sflag:s14], $0x4000  }
0x28: {  	[sflag:s14] =	ssyncset.done $0x0  }
0x29: {  	s30 =	simm.s32 $0x100;
	[sflag:s14] =	ssyncadd.s32 $0xFFFFC000  }
0x2a: {  	[tilespmem:s17], [sflag:$0x1] =	stream.indirect.gather [hbm4b:s1+s16], $0x80, s30, s16, $0xb8;
	[tilespmem:$0x1E800] =	vst v63  }
0x2b: {  	_ =	swait.ge [sflag:s20], $0x4000  }
0x2c: {  	[sflag:s20] =	ssyncset.done $0x0  }
0x2d: {  	s31 =	simm.s32 $0x1480;
	[sflag:s20] =	ssyncadd.s32 $0xFFFFC000  }
0x2e: {  	[spmem:s2] =	stream.indirect.scatter.add.f32 [tilespmem:s18], [sflag:$0x3], $0x80, s31, s16, $0xb8;
	[tilespmem:$0x1E800] =	vst v63  }
0x2f: {  	_ =	swait.ge [sflag:s14], $0x4000  }
0x30: {  	[sflag:s14] =	ssyncset.done $0x0  }
0x31: {  	s25 =	simm.s32 $0x180;
	s24 =	simm.s32 $0x400;
	[sflag:s14] =	ssyncadd.s32 $0xFFFFC000  }
.LBB2_2:
0x32: {  	[tilespmem:s18], [sflag:$0x2] =	stream.indirect.gather [hbm4b:s1+s16], $0x80, s25, s16, $0xb8;
	[tilespmem:$0x1E800] =	vst v63  }
0x33: {  	s25 =	smov.u32 s24  }
0x34: {  	p0 =	sne.s32 s24, $0x4800;
	s24 =	sadd.s32 $0x400, s24;
	_ =	swait.ge [sflag:s19], $0x4000  }
0x35: {  	s25 =	sshra.s32 s25, $0x2;
	[sflag:s19] =	ssyncset.done $0x0  }
0x36: {  	s26 =	sadd.s32 $0x1400, s25;
	[sflag:s19] =	ssyncadd.s32 $0xFFFFC000  }
0x37: {  	[spmem:s2] =	stream.indirect.scatter.add.f32 [tilespmem:s17], [sflag:$0x3], $0x80, s26, s16, $0xb8;
	[tilespmem:$0x1E800] =	vst v63  }
0x38: {  	_ =	swait.ge [sflag:s14], $0x4000  }
0x39: {  	[sflag:s14] =	ssyncset.done $0x0  }
0x3a: {  	s26 =	sadd.s32 $0x100, s25;
	[sflag:s14] =	ssyncadd.s32 $0xFFFFC000  }
0x3b: {  	[tilespmem:s17], [sflag:$0x1] =	stream.indirect.gather [hbm4b:s1+s16], $0x80, s26, s16, $0xb8;
	[tilespmem:$0x1E800] =	vst v63  }
0x3c: {  	_ =	swait.ge [sflag:s20], $0x4000  }
0x3d: {  	[sflag:s20] =	ssyncset.done $0x0  }
.Ltmp0:
0x3e: {  	s26 =	sadd.s32 $0x1480, s25;
	[sflag:s20] =	ssyncadd.s32 $0xFFFFC000;
	(pc) =	sbr.rel @p0 .LBB2_2-.Ltmp0, $4  }
0x3f: {  	[spmem:s2] =	stream.indirect.scatter.add.f32 [tilespmem:s18], [sflag:$0x3], $0x80, s26, s16, $0xb8;
	[tilespmem:$0x1E800] =	vst v63  }
0x40: {  	_ =	swait.ge [sflag:s14], $0x4000  }
0x41: {  	[sflag:s14] =	ssyncset.done $0x0  }
0x42: {  	s25 =	sadd.s32 $0x180, s25;
	[sflag:s14] =	ssyncadd.s32 $0xFFFFC000  }
0x43: {  	[tilespmem:s18], [sflag:$0x2] =	stream.indirect.gather [hbm4b:s1+s16], $0x80, s25, s16, $0xb8;
	[tilespmem:$0x1E800] =	vst v63  }
0x44: {  	_ =	swait.ge [sflag:s19], $0x4000  }
0x45: {  	[sflag:s19] =	ssyncset.done $0x0  }
0x46: {  	[sflag:s19] =	ssyncadd.s32 $0xFFFFC000  }
0x47: {  	[spmem:s2] =	stream.indirect.scatter.add.f32 [tilespmem:s17], [sflag:$0x3], $0x80, s21, s16, $0xb8;
	[tilespmem:$0x1E800] =	vst v63  }
0x48: {  	_ =	swait.ge [sflag:s14], $0x4000  }
0x49: {  	[sflag:s14] =	ssyncset.done $0x0  }
0x4a: {  	[sflag:s14] =	ssyncadd.s32 $0xFFFFC000  }
0x4b: {  	_ =	swait.ge [sflag:s20], $0x4000  }
0x4c: {  	[sflag:s20] =	ssyncset.done $0x0  }
0x4d: {  	[sflag:s20] =	ssyncadd.s32 $0xFFFFC000  }
0x4e: {  	[spmem:s2] =	stream.indirect.scatter.add.f32 [tilespmem:s18], [sflag:$0x3], $0x80, s22, s16, $0xb8;
	[tilespmem:$0x1E800] =	vst v63  }
0x4f: {  	_ =	swait.ge [sflag:s14], $0x4000  }
0x50: {  	[sflag:s14] =	ssyncset.done $0x0  }
0x51: {  	s24 =	simm.s32 $0x0;
	[sflag:s14] =	ssyncadd.s32 $0xFFFFC000  }
0x52: {  	[tilespmem:s24], [sflag:$0x3] =	stream.linear.gather [hbm4b:s9+s24], $0x1400, $0x38;
	[tilespmem:$0x1E800] =	vst v63  }
0x53: {  	_ =	swait.ge [sflag:s14], $0x1400  }
0x54: {  	[sflag:s14] =	ssyncset.done $0x0  }
0x55: {  	[sflag:s14] =	ssyncadd.s32 $0xFFFFEC00  }
0x56: {  	[tilespmem:s15], [sflag:$0x3] =	stream.linear.gather [hbm4b:s10+s24], $0x1400, $0x38;
	[tilespmem:$0x1E800] =	vst v63  }
0x57: {  	_ =	swait.ge [sflag:s14], $0x1400  }
0x58: {  	[sflag:s14] =	ssyncset.done $0x0  }
0x59: {  	[sflag:s14] =	ssyncadd.s32 $0xFFFFEC00  }
0x5a: {  	[tilespmem:s17], [sflag:$0x1] =	stream.indirect.gather [hbm4b:s1+s16], $0x80, s24, s16, $0xb8;
	[tilespmem:$0x1E800] =	vst v63  }
0x5b: {  	_ = 	snop  }
0x5c: {  	[tilespmem:s18], [sflag:$0x2] =	stream.indirect.gather [hbm4b:s1+s16], $0x80, s16, s16, $0xb8;
	[tilespmem:$0x1E800] =	vst v63  }
0x5d: {  	_ =	swait.ge [sflag:s19], $0x4000  }
0x5e: {  	[sflag:s19] =	ssyncset.done $0x0  }
0x5f: {  	s29 =	simm.s32 $0x1400;
	[sflag:s19] =	ssyncadd.s32 $0xFFFFC000  }
0x60: {  	[spmem:s2] =	stream.indirect.scatter.add.f32 [tilespmem:s17], [sflag:$0x3], $0x80, s29, s16, $0xb8;
	[tilespmem:$0x1E800] =	vst v63  }
0x61: {  	_ =	swait.ge [sflag:s14], $0x4000  }
0x62: {  	[sflag:s14] =	ssyncset.done $0x0  }
0x63: {  	s30 =	simm.s32 $0x100;
	[sflag:s14] =	ssyncadd.s32 $0xFFFFC000  }
0x64: {  	[tilespmem:s17], [sflag:$0x1] =	stream.indirect.gather [hbm4b:s1+s16], $0x80, s30, s16, $0xb8;
	[tilespmem:$0x1E800] =	vst v63  }
0x65: {  	_ =	swait.ge [sflag:s20], $0x4000  }
0x66: {  	[sflag:s20] =	ssyncset.done $0x0  }
0x67: {  	s31 =	simm.s32 $0x1480;
	[sflag:s20] =	ssyncadd.s32 $0xFFFFC000  }
0x68: {  	[spmem:s2] =	stream.indirect.scatter.add.f32 [tilespmem:s18], [sflag:$0x3], $0x80, s31, s16, $0xb8;
	[tilespmem:$0x1E800] =	vst v63  }
0x69: {  	_ =	swait.ge [sflag:s14], $0x4000  }
0x6a: {  	[sflag:s14] =	ssyncset.done $0x0  }
0x6b: {  	s25 =	simm.s32 $0x180;
	s24 =	simm.s32 $0x400;
	[sflag:s14] =	ssyncadd.s32 $0xFFFFC000  }
.LBB2_4:
0x6c: {  	[tilespmem:s18], [sflag:$0x2] =	stream.indirect.gather [hbm4b:s1+s16], $0x80, s25, s16, $0xb8;
	[tilespmem:$0x1E800] =	vst v63  }
0x6d: {  	s25 =	smov.u32 s24  }
0x6e: {  	p0 =	sne.s32 s24, $0x4800;
	s24 =	sadd.s32 $0x400, s24;
	_ =	swait.ge [sflag:s19], $0x4000  }
0x6f: {  	s25 =	sshra.s32 s25, $0x2;
	[sflag:s19] =	ssyncset.done $0x0  }
0x70: {  	s26 =	sadd.s32 $0x1400, s25;
	[sflag:s19] =	ssyncadd.s32 $0xFFFFC000  }
0x71: {  	[spmem:s2] =	stream.indirect.scatter.add.f32 [tilespmem:s17], [sflag:$0x3], $0x80, s26, s16, $0xb8;
	[tilespmem:$0x1E800] =	vst v63  }
0x72: {  	_ =	swait.ge [sflag:s14], $0x4000  }
0x73: {  	[sflag:s14] =	ssyncset.done $0x0  }
0x74: {  	s26 =	sadd.s32 $0x100, s25;
	[sflag:s14] =	ssyncadd.s32 $0xFFFFC000  }
0x75: {  	[tilespmem:s17], [sflag:$0x1] =	stream.indirect.gather [hbm4b:s1+s16], $0x80, s26, s16, $0xb8;
	[tilespmem:$0x1E800] =	vst v63  }
0x76: {  	_ =	swait.ge [sflag:s20], $0x4000  }
0x77: {  	[sflag:s20] =	ssyncset.done $0x0  }
.Ltmp1:
0x78: {  	s26 =	sadd.s32 $0x1480, s25;
	[sflag:s20] =	ssyncadd.s32 $0xFFFFC000;
	(pc) =	sbr.rel @p0 .LBB2_4-.Ltmp1, $4  }
0x79: {  	[spmem:s2] =	stream.indirect.scatter.add.f32 [tilespmem:s18], [sflag:$0x3], $0x80, s26, s16, $0xb8;
	[tilespmem:$0x1E800] =	vst v63  }
0x7a: {  	_ =	swait.ge [sflag:s14], $0x4000  }
0x7b: {  	[sflag:s14] =	ssyncset.done $0x0  }
0x7c: {  	s25 =	sadd.s32 $0x180, s25;
	[sflag:s14] =	ssyncadd.s32 $0xFFFFC000  }
0x7d: {  	[tilespmem:s18], [sflag:$0x2] =	stream.indirect.gather [hbm4b:s1+s16], $0x80, s25, s16, $0xb8;
	[tilespmem:$0x1E800] =	vst v63  }
0x7e: {  	_ =	swait.ge [sflag:s19], $0x4000  }
0x7f: {  	[sflag:s19] =	ssyncset.done $0x0  }
0x80: {  	[sflag:s19] =	ssyncadd.s32 $0xFFFFC000  }
0x81: {  	[spmem:s2] =	stream.indirect.scatter.add.f32 [tilespmem:s17], [sflag:$0x3], $0x80, s21, s16, $0xb8;
	[tilespmem:$0x1E800] =	vst v63  }
0x82: {  	_ =	swait.ge [sflag:s14], $0x4000  }
0x83: {  	[sflag:s14] =	ssyncset.done $0x0  }
0x84: {  	[sflag:s14] =	ssyncadd.s32 $0xFFFFC000  }
0x85: {  	_ =	swait.ge [sflag:s20], $0x4000  }
0x86: {  	[sflag:s20] =	ssyncset.done $0x0  }
0x87: {  	[sflag:s20] =	ssyncadd.s32 $0xFFFFC000  }
0x88: {  	[spmem:s2] =	stream.indirect.scatter.add.f32 [tilespmem:s18], [sflag:$0x3], $0x80, s22, s16, $0xb8;
	[tilespmem:$0x1E800] =	vst v63  }
0x89: {  	_ =	swait.ge [sflag:s14], $0x4000  }
0x8a: {  	s23 =	sadd.s32 $0x1, s23;
	[sflag:s14] =	ssyncset.done $0x0  }
0x8b: {  	p0 =	sne.s32 s23, s12;
	[sflag:s14] =	ssyncadd.s32 $0xFFFFC000  }
.Ltmp2:
0x8c: {  	[bflag:$0x0] =	sbarrier.arrive $0xFFFF;
	(pc) =	sbr.rel @p0 .LBB2_1-.Ltmp2, $4  }
0x8d: {  	[hbm:s11], [sflag:s6] =	dma.local [spmem:s13], $0x2800  }
0x8e: {  	_ =	swait.ge [sflag:s14], $0x2800  }
0x8f: {  	[sflag:s14] =	ssyncset.done $0x0  }
0x90: {  	[sflag:s14] =	ssyncadd.s32 $0xFFFFD800  }
0x91: {  	_ =	sfence.sel $0x180000  }
0x92: {  	[bflag:$0x0] =	sbarrier.arrive $0xFFFF  }
0x93: {  	p0 =	sne.s32 s3, $0x0;
	_ =	strace $0x9000004A  }
0x94: {  	s0 =	sadd.s32 @!p0 $0x100000, s0;
	[bflag:$0x2] =	sbarrier.arrive $0xFFFF  }
0x95: {  	[sflag:s0] =	ssyncadd.tile.s32 @!p0 $0x1;
	_ =	shalt  }
.Lfunc_end2:
_tile_overlayer_lowered:
.L_overlay_start_2:
0x96: {  	(tag) =	ssettag $0x2  }
0x97: {  	s0 =	rddreg [dreg:$0x0];
	s2 =	stileid.u32  }
0x98: {  	s1 =	rddreg [dreg:$0x1];
	p0 =	sne.s32 s2, $0x0  }
0x99: {  	s3 =	rddreg [dreg:$0x2];
	[bflag:$0x3] =	sbarrier.arrive $0xFFFF;
	s2 =	simm.s32 @!p0 $0x1C03  }
0x9a: {  	[timem:s3], [sflag:s2] =	dma.local @!p0 [hbm:s0], s1  }
0x9b: {  	s0 =	simm.s32 @!p0 $0x3  }
0x9c: {  	_ =	swait.ge @!p0 [sflag:s0], s1  }
0x9d: {  	s1 =	ssub.s32 @!p0 $0x0, s1;
	[sflag:s0] =	ssyncset.done @!p0 $0x0  }
0x9e: {  	[sflag:s0] =	ssyncadd.s32 @!p0 s1  }
0x9f: {  	[bflag:$0x3] =	sbarrier.arrive $0xFFFF  }
0xa0: {  	_ =	shalt  }

</sc_bundles>
